<compile_context>
chip_gen: v7x
topology: tpu7x:2x2x1
jax: 0.10.2.dev20260603
libtpu: 0.0.44.dev20260713+nightly
codegen_flags: <defaults>
</compile_context>

<pallas_src>
import functools

import jax
import jax.numpy as jnp
from jax.experimental import pallas as pl

N = 8192
TQ = 256
NRC = 512
KB = 8
LW = 128


def _knn_kernel(lb_ref, rb_ref, out_ref):
    lb = lb_ref[...]

    lane = jax.lax.broadcasted_iota(jnp.int32, (TQ, LW), 1).astype(jnp.float32)

    def combine(a, b):
        af, ai = a
        bf, bi = b
        take = bf < af
        return jnp.where(take, bf, af), jnp.where(take, bi, ai)

    mf = mi = None
    for c in range(N // NRC):
        c0 = c * NRC
        kb = jax.lax.dot_general(
            lb, rb_ref[:, pl.ds(c0, NRC)], (((1,), (0,)), ((), ())),
            preferred_element_type=jnp.float32)
        gs = [(kb[:, g * LW:(g + 1) * LW], lane + float(c0 + g * LW))
              for g in range(NRC // LW)]
        t01 = combine(gs[0], gs[1])
        t23 = combine(gs[2], gs[3])
        t = combine(t01, t23)
        if mf is None:
            mf, mi = t
        else:
            mf, mi = combine((mf, mi), t)

    rowf = jnp.min(mf, axis=1, keepdims=True)
    rowi = jnp.min(jnp.where(mf == rowf, mi, jnp.inf),
                   axis=1, keepdims=True)
    out_ref[...] = rowi


def _round_bf16_f32(x):
    u = jax.lax.bitcast_convert_type(x, jnp.uint32)
    r = (u + jnp.uint32(0x7FFF) + ((u >> 16) & jnp.uint32(1))) \
        & jnp.uint32(0xFFFF0000)
    return jax.lax.bitcast_convert_type(r, jnp.float32)


def _as_bf16(x):
    u = jax.lax.bitcast_convert_type(x, jnp.uint32)
    hi = (u >> 16).astype(jnp.uint16)
    return jax.lax.bitcast_convert_type(hi, jnp.bfloat16)


def _prep(pred, gt):
    q = pred.reshape(N, 3)
    g3 = gt.reshape(N, 3)
    bf16 = jnp.bfloat16

    qh = _round_bf16_f32(q)
    gh = _round_bf16_f32(g3)

    m2qh = _as_bf16(-2.0 * qh)
    lb = jnp.zeros((N, KB), bf16)
    lb = lb.at[:, 0:3].set(m2qh)
    lb = lb.at[:, 3:6].set(1.0)

    r2 = jnp.sum(g3 * g3, axis=1)
    r2h = _round_bf16_f32(r2)
    r2l = _round_bf16_f32(r2 - r2h)
    r2l2 = _round_bf16_f32(r2 - r2h - r2l)
    rb = jnp.zeros((KB, N), bf16)
    rb = rb.at[0:3, :].set(_as_bf16(gh).T)
    rb = rb.at[3, :].set(_as_bf16(r2h))
    rb = rb.at[4, :].set(_as_bf16(r2l))
    rb = rb.at[5, :].set(_as_bf16(r2l2))
    return lb, rb


@jax.jit
def _loss(pred, gt):
    lb, rb = _prep(pred, gt)
    rowi = pl.pallas_call(
        _knn_kernel,
        grid=(N // TQ,),
        in_specs=[
            pl.BlockSpec((TQ, KB), lambda i: (i, 0)),
            pl.BlockSpec((KB, N), lambda i: (0, 0)),
        ],
        out_specs=pl.BlockSpec((TQ, 1), lambda i: (i, 0)),
        out_shape=jax.ShapeDtypeStruct((N, 1), jnp.float32),
    )(lb, rb)
    idx = rowi[:, 0].astype(jnp.int32).reshape(1, N)
    align_gt = jnp.take_along_axis(gt, idx[:, :, None], axis=1)
    return jnp.mean((pred - align_gt) ** 2)


def kernel(pred, gt):
    return _loss(pred, gt)

# --- scband reference (transcript-rebuilt; emitter-appended) ---
"""Pipeline reference for scband-loss-43198781063800 (READ-ONLY COPY).

The authoritative reference and input builder live on the scoring server;
editing this copy changes nothing except your own understanding.
"""

import jax, jax.numpy as jnp
import numpy as np

def setup_inputs(seed: int = 0) -> dict:
    key = jax.random.key(seed)
    k1, k2 = jax.random.split(key)
    pred = jax.random.normal(k1, (1, 8192, 3), dtype=jnp.float32)
    gt = jax.random.normal(k2, (1, 8192, 3), dtype=jnp.float32)
    return {"pred": pred, "gt": gt}

def _knn1(ref, query):
    # KNN(k=1, transpose_mode=True): for each query point, nearest ref point.
    # ref, query: [B, N, 3]. Returns idx [B, Nq] of nearest ref point.
    ref_sq = jnp.sum(ref ** 2, axis=-1)          # [B, Nr]
    q_sq = jnp.sum(query ** 2, axis=-1)          # [B, Nq]
    cross = jnp.einsum('bqd,brd->bqr', query, ref)  # [B, Nq, Nr]
    d2 = q_sq[:, :, None] + ref_sq[:, None, :] - 2.0 * cross  # [B, Nq, Nr]
    idx = jnp.argmin(d2, axis=-1)                # [B, Nq]
    return idx

def reference(pred, gt):
    # Faithful to Loss.get_mse_loss: dist, idx = knn(gt, pred) (ref=gt, query=pred, k=1)
    # align_gt[0][i] = gt[0][idx[0][i][0]]; loss = MSE(pred, align_gt)
    idx = _knn1(gt, pred)                                  # [B, Np]
    align_gt = jnp.take_along_axis(gt, idx[:, :, None], axis=1)  # [B, Np, 3]
    loss = jnp.mean((pred - align_gt) ** 2)
    return loss

if __name__ == "__main__":
    import jax
    _d = setup_inputs()
    print(jax.jit(kernel)(*tuple(_d.values())))

</pallas_src>

<mosaic_0001>
module attributes {stable_mosaic.version = 14 : i64} {
  func.func @_knn_kernel(%arg0: i32, %arg1: memref<256x8xbf16, #tpu.memory_space<vmem>>, %arg2: memref<8x8192xbf16, #tpu.memory_space<vmem>>, %arg3: memref<256x1xf32, #tpu.memory_space<vmem>>) attributes {dimension_semantics = [#tpu.dimension_semantics<arbitrary>], iteration_bounds = array<i64: 32>, scalar_prefetch = 0 : i64, scratch_operands = 0 : i64, tpu.core_type = #tpu.core_type<tc>, window_params = [{transform_indices = @transform_0, window_bounds = array<i64: 256, 8>}, {pipeline_mode = #tpu.pipeline_mode<synchronous>, transform_indices = @transform_1, window_bounds = array<i64: 8, 8192>}, {transform_indices = @transform_2, window_bounds = array<i64: 256, 1>}]} {
    %get3A = arith.constant 0 : index
    %get3A_0 = arith.constant 0 : index
    %get3A_1 = vector.load %arg1[%get3A, %get3A_0] : memref<256x8xbf16, #tpu.memory_space<vmem>>, vector<256x8xbf16>
    %iota3A = tpu.iota {dimensions = array<i32: 1>} : vector<256x128xi32>
    %convert_element_type3A = arith.sitofp %iota3A : vector<256x128xi32> to vector<256x128xf32>
    %get3A_2 = arith.constant 0 : index
    %get3A_3 = arith.constant 0 : index
    %get3A_4 = vector.load %arg2[%get3A_2, %get3A_3] : memref<8x8192xbf16, #tpu.memory_space<vmem>>, vector<8x512xbf16>
    %dot_general3A = arith.constant dense<0.000000e+00> : vector<256x512xf32>
    %dot_general3A_5 = tpu.matmul %get3A_1, %get3A_4, %dot_general3A {dimension_numbers = #tpu.dot_dimension_numbers<[1], [0], [0], [1], [0, 0, 1, 1], [], []>, transpose_lhs_hint = false} : vector<256x8xbf16>, vector<8x512xbf16>, vector<256x512xf32> -> vector<256x512xf32>
    %slice3A = vector.extract_strided_slice %dot_general3A_5 {offsets = [0, 0], sizes = [256, 128], strides = [1, 1]} : vector<256x512xf32> to vector<256x128xf32>
    %add3A = arith.constant 0.000000e+00 : f32
    %add3A_6 = vector.broadcast %add3A : f32 to vector<256x128xf32>
    %add3A_7 = arith.addf %convert_element_type3A, %add3A_6 : vector<256x128xf32>
    %slice3A_8 = vector.extract_strided_slice %dot_general3A_5 {offsets = [0, 128], sizes = [256, 128], strides = [1, 1]} : vector<256x512xf32> to vector<256x128xf32>
    %add3A_9 = arith.constant 1.280000e+02 : f32
    %add3A_10 = vector.broadcast %add3A_9 : f32 to vector<256x128xf32>
    %add3A_11 = arith.addf %convert_element_type3A, %add3A_10 : vector<256x128xf32>
    %slice3A_12 = vector.extract_strided_slice %dot_general3A_5 {offsets = [0, 256], sizes = [256, 128], strides = [1, 1]} : vector<256x512xf32> to vector<256x128xf32>
    %add3A_13 = arith.constant 2.560000e+02 : f32
    %add3A_14 = vector.broadcast %add3A_13 : f32 to vector<256x128xf32>
    %add3A_15 = arith.addf %convert_element_type3A, %add3A_14 : vector<256x128xf32>
    %slice3A_16 = vector.extract_strided_slice %dot_general3A_5 {offsets = [0, 384], sizes = [256, 128], strides = [1, 1]} : vector<256x512xf32> to vector<256x128xf32>
    %add3A_17 = arith.constant 3.840000e+02 : f32
    %add3A_18 = vector.broadcast %add3A_17 : f32 to vector<256x128xf32>
    %add3A_19 = arith.addf %convert_element_type3A, %add3A_18 : vector<256x128xf32>
    %lt3A = arith.cmpf olt, %slice3A_8, %slice3A : vector<256x128xf32>
    %select_n3A = arith.select %lt3A, %slice3A_8, %slice3A : vector<256x128xi1>, vector<256x128xf32>
    %select_n3A_20 = arith.select %lt3A, %add3A_11, %add3A_7 : vector<256x128xi1>, vector<256x128xf32>
    %lt3A_21 = arith.cmpf olt, %slice3A_16, %slice3A_12 : vector<256x128xf32>
    %select_n3A_22 = arith.select %lt3A_21, %slice3A_16, %slice3A_12 : vector<256x128xi1>, vector<256x128xf32>
    %select_n3A_23 = arith.select %lt3A_21, %add3A_19, %add3A_15 : vector<256x128xi1>, vector<256x128xf32>
    %lt3A_24 = arith.cmpf olt, %select_n3A_22, %select_n3A : vector<256x128xf32>
    %select_n3A_25 = arith.select %lt3A_24, %select_n3A_22, %select_n3A : vector<256x128xi1>, vector<256x128xf32>
    %select_n3A_26 = arith.select %lt3A_24, %select_n3A_23, %select_n3A_20 : vector<256x128xi1>, vector<256x128xf32>
    %get3A_27 = arith.constant 0 : index
    %get3A_28 = arith.constant 512 : index
    %get3A_29 = vector.load %arg2[%get3A_27, %get3A_28] : memref<8x8192xbf16, #tpu.memory_space<vmem>>, vector<8x512xbf16>
    %dot_general3A_30 = arith.constant dense<0.000000e+00> : vector<256x512xf32>
    %dot_general3A_31 = tpu.matmul %get3A_1, %get3A_29, %dot_general3A_30 {dimension_numbers = #tpu.dot_dimension_numbers<[1], [0], [0], [1], [0, 0, 1, 1], [], []>, transpose_lhs_hint = false} : vector<256x8xbf16>, vector<8x512xbf16>, vector<256x512xf32> -> vector<256x512xf32>
    %slice3A_32 = vector.extract_strided_slice %dot_general3A_31 {offsets = [0, 0], sizes = [256, 128], strides = [1, 1]} : vector<256x512xf32> to vector<256x128xf32>
    %add3A_33 = arith.constant 5.120000e+02 : f32
    %add3A_34 = vector.broadcast %add3A_33 : f32 to vector<256x128xf32>
    %add3A_35 = arith.addf %convert_element_type3A, %add3A_34 : vector<256x128xf32>
    %slice3A_36 = vector.extract_strided_slice %dot_general3A_31 {offsets = [0, 128], sizes = [256, 128], strides = [1, 1]} : vector<256x512xf32> to vector<256x128xf32>
    %add3A_37 = arith.constant 6.400000e+02 : f32
    %add3A_38 = vector.broadcast %add3A_37 : f32 to vector<256x128xf32>
    %add3A_39 = arith.addf %convert_element_type3A, %add3A_38 : vector<256x128xf32>
    %slice3A_40 = vector.extract_strided_slice %dot_general3A_31 {offsets = [0, 256], sizes = [256, 128], strides = [1, 1]} : vector<256x512xf32> to vector<256x128xf32>
    %add3A_41 = arith.constant 7.680000e+02 : f32
    %add3A_42 = vector.broadcast %add3A_41 : f32 to vector<256x128xf32>
    %add3A_43 = arith.addf %convert_element_type3A, %add3A_42 : vector<256x128xf32>
    %slice3A_44 = vector.extract_strided_slice %dot_general3A_31 {offsets = [0, 384], sizes = [256, 128], strides = [1, 1]} : vector<256x512xf32> to vector<256x128xf32>
    %add3A_45 = arith.constant 8.960000e+02 : f32
    %add3A_46 = vector.broadcast %add3A_45 : f32 to vector<256x128xf32>
    %add3A_47 = arith.addf %convert_element_type3A, %add3A_46 : vector<256x128xf32>
    %lt3A_48 = arith.cmpf olt, %slice3A_36, %slice3A_32 : vector<256x128xf32>
    %select_n3A_49 = arith.select %lt3A_48, %slice3A_36, %slice3A_32 : vector<256x128xi1>, vector<256x128xf32>
    %select_n3A_50 = arith.select %lt3A_48, %add3A_39, %add3A_35 : vector<256x128xi1>, vector<256x128xf32>
    %lt3A_51 = arith.cmpf olt, %slice3A_44, %slice3A_40 : vector<256x128xf32>
    %select_n3A_52 = arith.select %lt3A_51, %slice3A_44, %slice3A_40 : vector<256x128xi1>, vector<256x128xf32>
    %select_n3A_53 = arith.select %lt3A_51, %add3A_47, %add3A_43 : vector<256x128xi1>, vector<256x128xf32>
    %lt3A_54 = arith.cmpf olt, %select_n3A_52, %select_n3A_49 : vector<256x128xf32>
    %select_n3A_55 = arith.select %lt3A_54, %select_n3A_52, %select_n3A_49 : vector<256x128xi1>, vector<256x128xf32>
    %select_n3A_56 = arith.select %lt3A_54, %select_n3A_53, %select_n3A_50 : vector<256x128xi1>, vector<256x128xf32>
    %lt3A_57 = arith.cmpf olt, %select_n3A_55, %select_n3A_25 : vector<256x128xf32>
    %select_n3A_58 = arith.select %lt3A_57, %select_n3A_55, %select_n3A_25 : vector<256x128xi1>, vector<256x128xf32>
    %select_n3A_59 = arith.select %lt3A_57, %select_n3A_56, %select_n3A_26 : vector<256x128xi1>, vector<256x128xf32>
    %get3A_60 = arith.constant 0 : index
    %get3A_61 = arith.constant 1024 : index
    %get3A_62 = vector.load %arg2[%get3A_60, %get3A_61] : memref<8x8192xbf16, #tpu.memory_space<vmem>>, vector<8x512xbf16>
    %dot_general3A_63 = arith.constant dense<0.000000e+00> : vector<256x512xf32>
    %dot_general3A_64 = tpu.matmul %get3A_1, %get3A_62, %dot_general3A_63 {dimension_numbers = #tpu.dot_dimension_numbers<[1], [0], [0], [1], [0, 0, 1, 1], [], []>, transpose_lhs_hint = false} : vector<256x8xbf16>, vector<8x512xbf16>, vector<256x512xf32> -> vector<256x512xf32>
    %slice3A_65 = vector.extract_strided_slice %dot_general3A_64 {offsets = [0, 0], sizes = [256, 128], strides = [1, 1]} : vector<256x512xf32> to vector<256x128xf32>
    %add3A_66 = arith.constant 1.024000e+03 : f32
    %add3A_67 = vector.broadcast %add3A_66 : f32 to vector<256x128xf32>
    %add3A_68 = arith.addf %convert_element_type3A, %add3A_67 : vector<256x128xf32>
    %slice3A_69 = vector.extract_strided_slice %dot_general3A_64 {offsets = [0, 128], sizes = [256, 128], strides = [1, 1]} : vector<256x512xf32> to vector<256x128xf32>
    %add3A_70 = arith.constant 1.152000e+03 : f32
    %add3A_71 = vector.broadcast %add3A_70 : f32 to vector<256x128xf32>
    %add3A_72 = arith.addf %convert_element_type3A, %add3A_71 : vector<256x128xf32>
    %slice3A_73 = vector.extract_strided_slice %dot_general3A_64 {offsets = [0, 256], sizes = [256, 128], strides = [1, 1]} : vector<256x512xf32> to vector<256x128xf32>
    %add3A_74 = arith.constant 1.280000e+03 : f32
    %add3A_75 = vector.broadcast %add3A_74 : f32 to vector<256x128xf32>
    %add3A_76 = arith.addf %convert_element_type3A, %add3A_75 : vector<256x128xf32>
    %slice3A_77 = vector.extract_strided_slice %dot_general3A_64 {offsets = [0, 384], sizes = [256, 128], strides = [1, 1]} : vector<256x512xf32> to vector<256x128xf32>
    %add3A_78 = arith.constant 1.408000e+03 : f32
    %add3A_79 = vector.broadcast %add3A_78 : f32 to vector<256x128xf32>
    %add3A_80 = arith.addf %convert_element_type3A, %add3A_79 : vector<256x128xf32>
    %lt3A_81 = arith.cmpf olt, %slice3A_69, %slice3A_65 : vector<256x128xf32>
    %select_n3A_82 = arith.select %lt3A_81, %slice3A_69, %slice3A_65 : vector<256x128xi1>, vector<256x128xf32>
    %select_n3A_83 = arith.select %lt3A_81, %add3A_72, %add3A_68 : vector<256x128xi1>, vector<256x128xf32>
    %lt3A_84 = arith.cmpf olt, %slice3A_77, %slice3A_73 : vector<256x128xf32>
    %select_n3A_85 = arith.select %lt3A_84, %slice3A_77, %slice3A_73 : vector<256x128xi1>, vector<256x128xf32>
    %select_n3A_86 = arith.select %lt3A_84, %add3A_80, %add3A_76 : vector<256x128xi1>, vector<256x128xf32>
    %lt3A_87 = arith.cmpf olt, %select_n3A_85, %select_n3A_82 : vector<256x128xf32>
    %select_n3A_88 = arith.select %lt3A_87, %select_n3A_85, %select_n3A_82 : vector<256x128xi1>, vector<256x128xf32>
    %select_n3A_89 = arith.select %lt3A_87, %select_n3A_86, %select_n3A_83 : vector<256x128xi1>, vector<256x128xf32>
    %lt3A_90 = arith.cmpf olt, %select_n3A_88, %select_n3A_58 : vector<256x128xf32>
    %select_n3A_91 = arith.select %lt3A_90, %select_n3A_88, %select_n3A_58 : vector<256x128xi1>, vector<256x128xf32>
    %select_n3A_92 = arith.select %lt3A_90, %select_n3A_89, %select_n3A_59 : vector<256x128xi1>, vector<256x128xf32>
    %get3A_93 = arith.constant 0 : index
    %get3A_94 = arith.constant 1536 : index
    %get3A_95 = vector.load %arg2[%get3A_93, %get3A_94] : memref<8x8192xbf16, #tpu.memory_space<vmem>>, vector<8x512xbf16>
    %dot_general3A_96 = arith.constant dense<0.000000e+00> : vector<256x512xf32>
    %dot_general3A_97 = tpu.matmul %get3A_1, %get3A_95, %dot_general3A_96 {dimension_numbers = #tpu.dot_dimension_numbers<[1], [0], [0], [1], [0, 0, 1, 1], [], []>, transpose_lhs_hint = false} : vector<256x8xbf16>, vector<8x512xbf16>, vector<256x512xf32> -> vector<256x512xf32>
    %slice3A_98 = vector.extract_strided_slice %dot_general3A_97 {offsets = [0, 0], sizes = [256, 128], strides = [1, 1]} : vector<256x512xf32> to vector<256x128xf32>
    %add3A_99 = arith.constant 1.536000e+03 : f32
    %add3A_100 = vector.broadcast %add3A_99 : f32 to vector<256x128xf32>
    %add3A_101 = arith.addf %convert_element_type3A, %add3A_100 : vector<256x128xf32>
    %slice3A_102 = vector.extract_strided_slice %dot_general3A_97 {offsets = [0, 128], sizes = [256, 128], strides = [1, 1]} : vector<256x512xf32> to vector<256x128xf32>
    %add3A_103 = arith.constant 1.664000e+03 : f32
    %add3A_104 = vector.broadcast %add3A_103 : f32 to vector<256x128xf32>
    %add3A_105 = arith.addf %convert_element_type3A, %add3A_104 : vector<256x128xf32>
    %slice3A_106 = vector.extract_strided_slice %dot_general3A_97 {offsets = [0, 256], sizes = [256, 128], strides = [1, 1]} : vector<256x512xf32> to vector<256x128xf32>
    %add3A_107 = arith.constant 1.792000e+03 : f32
    %add3A_108 = vector.broadcast %add3A_107 : f32 to vector<256x128xf32>
    %add3A_109 = arith.addf %convert_element_type3A, %add3A_108 : vector<256x128xf32>
    %slice3A_110 = vector.extract_strided_slice %dot_general3A_97 {offsets = [0, 384], sizes = [256, 128], strides = [1, 1]} : vector<256x512xf32> to vector<256x128xf32>
    %add3A_111 = arith.constant 1.920000e+03 : f32
    %add3A_112 = vector.broadcast %add3A_111 : f32 to vector<256x128xf32>
    %add3A_113 = arith.addf %convert_element_type3A, %add3A_112 : vector<256x128xf32>
    %lt3A_114 = arith.cmpf olt, %slice3A_102, %slice3A_98 : vector<256x128xf32>
    %select_n3A_115 = arith.select %lt3A_114, %slice3A_102, %slice3A_98 : vector<256x128xi1>, vector<256x128xf32>
    %select_n3A_116 = arith.select %lt3A_114, %add3A_105, %add3A_101 : vector<256x128xi1>, vector<256x128xf32>
    %lt3A_117 = arith.cmpf olt, %slice3A_110, %slice3A_106 : vector<256x128xf32>
    %select_n3A_118 = arith.select %lt3A_117, %slice3A_110, %slice3A_106 : vector<256x128xi1>, vector<256x128xf32>
    %select_n3A_119 = arith.select %lt3A_117, %add3A_113, %add3A_109 : vector<256x128xi1>, vector<256x128xf32>
    %lt3A_120 = arith.cmpf olt, %select_n3A_118, %select_n3A_115 : vector<256x128xf32>
    %select_n3A_121 = arith.select %lt3A_120, %select_n3A_118, %select_n3A_115 : vector<256x128xi1>, vector<256x128xf32>
    %select_n3A_122 = arith.select %lt3A_120, %select_n3A_119, %select_n3A_116 : vector<256x128xi1>, vector<256x128xf32>
    %lt3A_123 = arith.cmpf olt, %select_n3A_121, %select_n3A_91 : vector<256x128xf32>
    %select_n3A_124 = arith.select %lt3A_123, %select_n3A_121, %select_n3A_91 : vector<256x128xi1>, vector<256x128xf32>
    %select_n3A_125 = arith.select %lt3A_123, %select_n3A_122, %select_n3A_92 : vector<256x128xi1>, vector<256x128xf32>
    %get3A_126 = arith.constant 0 : index
    %get3A_127 = arith.constant 2048 : index
    %get3A_128 = vector.load %arg2[%get3A_126, %get3A_127] : memref<8x8192xbf16, #tpu.memory_space<vmem>>, vector<8x512xbf16>
    %dot_general3A_129 = arith.constant dense<0.000000e+00> : vector<256x512xf32>
    %dot_general3A_130 = tpu.matmul %get3A_1, %get3A_128, %dot_general3A_129 {dimension_numbers = #tpu.dot_dimension_numbers<[1], [0], [0], [1], [0, 0, 1, 1], [], []>, transpose_lhs_hint = false} : vector<256x8xbf16>, vector<8x512xbf16>, vector<256x512xf32> -> vector<256x512xf32>
    %slice3A_131 = vector.extract_strided_slice %dot_general3A_130 {offsets = [0, 0], sizes = [256, 128], strides = [1, 1]} : vector<256x512xf32> to vector<256x128xf32>
    %add3A_132 = arith.constant 2.048000e+03 : f32
    %add3A_133 = vector.broadcast %add3A_132 : f32 to vector<256x128xf32>
    %add3A_134 = arith.addf %convert_element_type3A, %add3A_133 : vector<256x128xf32>
    %slice3A_135 = vector.extract_strided_slice %dot_general3A_130 {offsets = [0, 128], sizes = [256, 128], strides = [1, 1]} : vector<256x512xf32> to vector<256x128xf32>
    %add3A_136 = arith.constant 2.176000e+03 : f32
    %add3A_137 = vector.broadcast %add3A_136 : f32 to vector<256x128xf32>
    %add3A_138 = arith.addf %convert_element_type3A, %add3A_137 : vector<256x128xf32>
    %slice3A_139 = vector.extract_strided_slice %dot_general3A_130 {offsets = [0, 256], sizes = [256, 128], strides = [1, 1]} : vector<256x512xf32> to vector<256x128xf32>
    %add3A_140 = arith.constant 2.304000e+03 : f32
    %add3A_141 = vector.broadcast %add3A_140 : f32 to vector<256x128xf32>
    %add3A_142 = arith.addf %convert_element_type3A, %add3A_141 : vector<256x128xf32>
    %slice3A_143 = vector.extract_strided_slice %dot_general3A_130 {offsets = [0, 384], sizes = [256, 128], strides = [1, 1]} : vector<256x512xf32> to vector<256x128xf32>
    %add3A_144 = arith.constant 2.432000e+03 : f32
    %add3A_145 = vector.broadcast %add3A_144 : f32 to vector<256x128xf32>
    %add3A_146 = arith.addf %convert_element_type3A, %add3A_145 : vector<256x128xf32>
    %lt3A_147 = arith.cmpf olt, %slice3A_135, %slice3A_131 : vector<256x128xf32>
    %select_n3A_148 = arith.select %lt3A_147, %slice3A_135, %slice3A_131 : vector<256x128xi1>, vector<256x128xf32>
    %select_n3A_149 = arith.select %lt3A_147, %add3A_138, %add3A_134 : vector<256x128xi1>, vector<256x128xf32>
    %lt3A_150 = arith.cmpf olt, %slice3A_143, %slice3A_139 : vector<256x128xf32>
    %select_n3A_151 = arith.select %lt3A_150, %slice3A_143, %slice3A_139 : vector<256x128xi1>, vector<256x128xf32>
    %select_n3A_152 = arith.select %lt3A_150, %add3A_146, %add3A_142 : vector<256x128xi1>, vector<256x128xf32>
    %lt3A_153 = arith.cmpf olt, %select_n3A_151, %select_n3A_148 : vector<256x128xf32>
    %select_n3A_154 = arith.select %lt3A_153, %select_n3A_151, %select_n3A_148 : vector<256x128xi1>, vector<256x128xf32>
    %select_n3A_155 = arith.select %lt3A_153, %select_n3A_152, %select_n3A_149 : vector<256x128xi1>, vector<256x128xf32>
    %lt3A_156 = arith.cmpf olt, %select_n3A_154, %select_n3A_124 : vector<256x128xf32>
    %select_n3A_157 = arith.select %lt3A_156, %select_n3A_154, %select_n3A_124 : vector<256x128xi1>, vector<256x128xf32>
    %select_n3A_158 = arith.select %lt3A_156, %select_n3A_155, %select_n3A_125 : vector<256x128xi1>, vector<256x128xf32>
    %get3A_159 = arith.constant 0 : index
    %get3A_160 = arith.constant 2560 : index
    %get3A_161 = vector.load %arg2[%get3A_159, %get3A_160] : memref<8x8192xbf16, #tpu.memory_space<vmem>>, vector<8x512xbf16>
    %dot_general3A_162 = arith.constant dense<0.000000e+00> : vector<256x512xf32>
    %dot_general3A_163 = tpu.matmul %get3A_1, %get3A_161, %dot_general3A_162 {dimension_numbers = #tpu.dot_dimension_numbers<[1], [0], [0], [1], [0, 0, 1, 1], [], []>, transpose_lhs_hint = false} : vector<256x8xbf16>, vector<8x512xbf16>, vector<256x512xf32> -> vector<256x512xf32>
    %slice3A_164 = vector.extract_strided_slice %dot_general3A_163 {offsets = [0, 0], sizes = [256, 128], strides = [1, 1]} : vector<256x512xf32> to vector<256x128xf32>
    %add3A_165 = arith.constant 2.560000e+03 : f32
    %add3A_166 = vector.broadcast %add3A_165 : f32 to vector<256x128xf32>
    %add3A_167 = arith.addf %convert_element_type3A, %add3A_166 : vector<256x128xf32>
    %slice3A_168 = vector.extract_strided_slice %dot_general3A_163 {offsets = [0, 128], sizes = [256, 128], strides = [1, 1]} : vector<256x512xf32> to vector<256x128xf32>
    %add3A_169 = arith.constant 2.688000e+03 : f32
    %add3A_170 = vector.broadcast %add3A_169 : f32 to vector<256x128xf32>
    %add3A_171 = arith.addf %convert_element_type3A, %add3A_170 : vector<256x128xf32>
    %slice3A_172 = vector.extract_strided_slice %dot_general3A_163 {offsets = [0, 256], sizes = [256, 128], strides = [1, 1]} : vector<256x512xf32> to vector<256x128xf32>
    %add3A_173 = arith.constant 2.816000e+03 : f32
    %add3A_174 = vector.broadcast %add3A_173 : f32 to vector<256x128xf32>
    %add3A_175 = arith.addf %convert_element_type3A, %add3A_174 : vector<256x128xf32>
    %slice3A_176 = vector.extract_strided_slice %dot_general3A_163 {offsets = [0, 384], sizes = [256, 128], strides = [1, 1]} : vector<256x512xf32> to vector<256x128xf32>
    %add3A_177 = arith.constant 2.944000e+03 : f32
    %add3A_178 = vector.broadcast %add3A_177 : f32 to vector<256x128xf32>
    %add3A_179 = arith.addf %convert_element_type3A, %add3A_178 : vector<256x128xf32>
    %lt3A_180 = arith.cmpf olt, %slice3A_168, %slice3A_164 : vector<256x128xf32>
    %select_n3A_181 = arith.select %lt3A_180, %slice3A_168, %slice3A_164 : vector<256x128xi1>, vector<256x128xf32>
    %select_n3A_182 = arith.select %lt3A_180, %add3A_171, %add3A_167 : vector<256x128xi1>, vector<256x128xf32>
    %lt3A_183 = arith.cmpf olt, %slice3A_176, %slice3A_172 : vector<256x128xf32>
    %select_n3A_184 = arith.select %lt3A_183, %slice3A_176, %slice3A_172 : vector<256x128xi1>, vector<256x128xf32>
    %select_n3A_185 = arith.select %lt3A_183, %add3A_179, %add3A_175 : vector<256x128xi1>, vector<256x128xf32>
    %lt3A_186 = arith.cmpf olt, %select_n3A_184, %select_n3A_181 : vector<256x128xf32>
    %select_n3A_187 = arith.select %lt3A_186, %select_n3A_184, %select_n3A_181 : vector<256x128xi1>, vector<256x128xf32>
    %select_n3A_188 = arith.select %lt3A_186, %select_n3A_185, %select_n3A_182 : vector<256x128xi1>, vector<256x128xf32>
    %lt3A_189 = arith.cmpf olt, %select_n3A_187, %select_n3A_157 : vector<256x128xf32>
    %select_n3A_190 = arith.select %lt3A_189, %select_n3A_187, %select_n3A_157 : vector<256x128xi1>, vector<256x128xf32>
    %select_n3A_191 = arith.select %lt3A_189, %select_n3A_188, %select_n3A_158 : vector<256x128xi1>, vector<256x128xf32>
    %get3A_192 = arith.constant 0 : index
    %get3A_193 = arith.constant 3072 : index
    %get3A_194 = vector.load %arg2[%get3A_192, %get3A_193] : memref<8x8192xbf16, #tpu.memory_space<vmem>>, vector<8x512xbf16>
    %dot_general3A_195 = arith.constant dense<0.000000e+00> : vector<256x512xf32>
    %dot_general3A_196 = tpu.matmul %get3A_1, %get3A_194, %dot_general3A_195 {dimension_numbers = #tpu.dot_dimension_numbers<[1], [0], [0], [1], [0, 0, 1, 1], [], []>, transpose_lhs_hint = false} : vector<256x8xbf16>, vector<8x512xbf16>, vector<256x512xf32> -> vector<256x512xf32>
    %slice3A_197 = vector.extract_strided_slice %dot_general3A_196 {offsets = [0, 0], sizes = [256, 128], strides = [1, 1]} : vector<256x512xf32> to vector<256x128xf32>
    %add3A_198 = arith.constant 3.072000e+03 : f32
    %add3A_199 = vector.broadcast %add3A_198 : f32 to vector<256x128xf32>
    %add3A_200 = arith.addf %convert_element_type3A, %add3A_199 : vector<256x128xf32>
    %slice3A_201 = vector.extract_strided_slice %dot_general3A_196 {offsets = [0, 128], sizes = [256, 128], strides = [1, 1]} : vector<256x512xf32> to vector<256x128xf32>
    %add3A_202 = arith.constant 3.200000e+03 : f32
    %add3A_203 = vector.broadcast %add3A_202 : f32 to vector<256x128xf32>
    %add3A_204 = arith.addf %convert_element_type3A, %add3A_203 : vector<256x128xf32>
    %slice3A_205 = vector.extract_strided_slice %dot_general3A_196 {offsets = [0, 256], sizes = [256, 128], strides = [1, 1]} : vector<256x512xf32> to vector<256x128xf32>
    %add3A_206 = arith.constant 3.328000e+03 : f32
    %add3A_207 = vector.broadcast %add3A_206 : f32 to vector<256x128xf32>
    %add3A_208 = arith.addf %convert_element_type3A, %add3A_207 : vector<256x128xf32>
    %slice3A_209 = vector.extract_strided_slice %dot_general3A_196 {offsets = [0, 384], sizes = [256, 128], strides = [1, 1]} : vector<256x512xf32> to vector<256x128xf32>
    %add3A_210 = arith.constant 3.456000e+03 : f32
    %add3A_211 = vector.broadcast %add3A_210 : f32 to vector<256x128xf32>
    %add3A_212 = arith.addf %convert_element_type3A, %add3A_211 : vector<256x128xf32>
    %lt3A_213 = arith.cmpf olt, %slice3A_201, %slice3A_197 : vector<256x128xf32>
    %select_n3A_214 = arith.select %lt3A_213, %slice3A_201, %slice3A_197 : vector<256x128xi1>, vector<256x128xf32>
    %select_n3A_215 = arith.select %lt3A_213, %add3A_204, %add3A_200 : vector<256x128xi1>, vector<256x128xf32>
    %lt3A_216 = arith.cmpf olt, %slice3A_209, %slice3A_205 : vector<256x128xf32>
    %select_n3A_217 = arith.select %lt3A_216, %slice3A_209, %slice3A_205 : vector<256x128xi1>, vector<256x128xf32>
    %select_n3A_218 = arith.select %lt3A_216, %add3A_212, %add3A_208 : vector<256x128xi1>, vector<256x128xf32>
    %lt3A_219 = arith.cmpf olt, %select_n3A_217, %select_n3A_214 : vector<256x128xf32>
    %select_n3A_220 = arith.select %lt3A_219, %select_n3A_217, %select_n3A_214 : vector<256x128xi1>, vector<256x128xf32>
    %select_n3A_221 = arith.select %lt3A_219, %select_n3A_218, %select_n3A_215 : vector<256x128xi1>, vector<256x128xf32>
    %lt3A_222 = arith.cmpf olt, %select_n3A_220, %select_n3A_190 : vector<256x128xf32>
    %select_n3A_223 = arith.select %lt3A_222, %select_n3A_220, %select_n3A_190 : vector<256x128xi1>, vector<256x128xf32>
    %select_n3A_224 = arith.select %lt3A_222, %select_n3A_221, %select_n3A_191 : vector<256x128xi1>, vector<256x128xf32>
    %get3A_225 = arith.constant 0 : index
    %get3A_226 = arith.constant 3584 : index
    %get3A_227 = vector.load %arg2[%get3A_225, %get3A_226] : memref<8x8192xbf16, #tpu.memory_space<vmem>>, vector<8x512xbf16>
    %dot_general3A_228 = arith.constant dense<0.000000e+00> : vector<256x512xf32>
    %dot_general3A_229 = tpu.matmul %get3A_1, %get3A_227, %dot_general3A_228 {dimension_numbers = #tpu.dot_dimension_numbers<[1], [0], [0], [1], [0, 0, 1, 1], [], []>, transpose_lhs_hint = false} : vector<256x8xbf16>, vector<8x512xbf16>, vector<256x512xf32> -> vector<256x512xf32>
    %slice3A_230 = vector.extract_strided_slice %dot_general3A_229 {offsets = [0, 0], sizes = [256, 128], strides = [1, 1]} : vector<256x512xf32> to vector<256x128xf32>
    %add3A_231 = arith.constant 3.584000e+03 : f32
    %add3A_232 = vector.broadcast %add3A_231 : f32 to vector<256x128xf32>
    %add3A_233 = arith.addf %convert_element_type3A, %add3A_232 : vector<256x128xf32>
    %slice3A_234 = vector.extract_strided_slice %dot_general3A_229 {offsets = [0, 128], sizes = [256, 128], strides = [1, 1]} : vector<256x512xf32> to vector<256x128xf32>
    %add3A_235 = arith.constant 3.712000e+03 : f32
    %add3A_236 = vector.broadcast %add3A_235 : f32 to vector<256x128xf32>
    %add3A_237 = arith.addf %convert_element_type3A, %add3A_236 : vector<256x128xf32>
    %slice3A_238 = vector.extract_strided_slice %dot_general3A_229 {offsets = [0, 256], sizes = [256, 128], strides = [1, 1]} : vector<256x512xf32> to vector<256x128xf32>
    %add3A_239 = arith.constant 3.840000e+03 : f32
    %add3A_240 = vector.broadcast %add3A_239 : f32 to vector<256x128xf32>
    %add3A_241 = arith.addf %convert_element_type3A, %add3A_240 : vector<256x128xf32>
    %slice3A_242 = vector.extract_strided_slice %dot_general3A_229 {offsets = [0, 384], sizes = [256, 128], strides = [1, 1]} : vector<256x512xf32> to vector<256x128xf32>
    %add3A_243 = arith.constant 3.968000e+03 : f32
    %add3A_244 = vector.broadcast %add3A_243 : f32 to vector<256x128xf32>
    %add3A_245 = arith.addf %convert_element_type3A, %add3A_244 : vector<256x128xf32>
    %lt3A_246 = arith.cmpf olt, %slice3A_234, %slice3A_230 : vector<256x128xf32>
    %select_n3A_247 = arith.select %lt3A_246, %slice3A_234, %slice3A_230 : vector<256x128xi1>, vector<256x128xf32>
    %select_n3A_248 = arith.select %lt3A_246, %add3A_237, %add3A_233 : vector<256x128xi1>, vector<256x128xf32>
    %lt3A_249 = arith.cmpf olt, %slice3A_242, %slice3A_238 : vector<256x128xf32>
    %select_n3A_250 = arith.select %lt3A_249, %slice3A_242, %slice3A_238 : vector<256x128xi1>, vector<256x128xf32>
    %select_n3A_251 = arith.select %lt3A_249, %add3A_245, %add3A_241 : vector<256x128xi1>, vector<256x128xf32>
    %lt3A_252 = arith.cmpf olt, %select_n3A_250, %select_n3A_247 : vector<256x128xf32>
    %select_n3A_253 = arith.select %lt3A_252, %select_n3A_250, %select_n3A_247 : vector<256x128xi1>, vector<256x128xf32>
    %select_n3A_254 = arith.select %lt3A_252, %select_n3A_251, %select_n3A_248 : vector<256x128xi1>, vector<256x128xf32>
    %lt3A_255 = arith.cmpf olt, %select_n3A_253, %select_n3A_223 : vector<256x128xf32>
    %select_n3A_256 = arith.select %lt3A_255, %select_n3A_253, %select_n3A_223 : vector<256x128xi1>, vector<256x128xf32>
    %select_n3A_257 = arith.select %lt3A_255, %select_n3A_254, %select_n3A_224 : vector<256x128xi1>, vector<256x128xf32>
    %get3A_258 = arith.constant 0 : index
    %get3A_259 = arith.constant 4096 : index
    %get3A_260 = vector.load %arg2[%get3A_258, %get3A_259] : memref<8x8192xbf16, #tpu.memory_space<vmem>>, vector<8x512xbf16>
    %dot_general3A_261 = arith.constant dense<0.000000e+00> : vector<256x512xf32>
    %dot_general3A_262 = tpu.matmul %get3A_1, %get3A_260, %dot_general3A_261 {dimension_numbers = #tpu.dot_dimension_numbers<[1], [0], [0], [1], [0, 0, 1, 1], [], []>, transpose_lhs_hint = false} : vector<256x8xbf16>, vector<8x512xbf16>, vector<256x512xf32> -> vector<256x512xf32>
    %slice3A_263 = vector.extract_strided_slice %dot_general3A_262 {offsets = [0, 0], sizes = [256, 128], strides = [1, 1]} : vector<256x512xf32> to vector<256x128xf32>
    %add3A_264 = arith.constant 4.096000e+03 : f32
    %add3A_265 = vector.broadcast %add3A_264 : f32 to vector<256x128xf32>
    %add3A_266 = arith.addf %convert_element_type3A, %add3A_265 : vector<256x128xf32>
    %slice3A_267 = vector.extract_strided_slice %dot_general3A_262 {offsets = [0, 128], sizes = [256, 128], strides = [1, 1]} : vector<256x512xf32> to vector<256x128xf32>
    %add3A_268 = arith.constant 4.224000e+03 : f32
    %add3A_269 = vector.broadcast %add3A_268 : f32 to vector<256x128xf32>
    %add3A_270 = arith.addf %convert_element_type3A, %add3A_269 : vector<256x128xf32>
    %slice3A_271 = vector.extract_strided_slice %dot_general3A_262 {offsets = [0, 256], sizes = [256, 128], strides = [1, 1]} : vector<256x512xf32> to vector<256x128xf32>
    %add3A_272 = arith.constant 4.352000e+03 : f32
    %add3A_273 = vector.broadcast %add3A_272 : f32 to vector<256x128xf32>
    %add3A_274 = arith.addf %convert_element_type3A, %add3A_273 : vector<256x128xf32>
    %slice3A_275 = vector.extract_strided_slice %dot_general3A_262 {offsets = [0, 384], sizes = [256, 128], strides = [1, 1]} : vector<256x512xf32> to vector<256x128xf32>
    %add3A_276 = arith.constant 4.480000e+03 : f32
    %add3A_277 = vector.broadcast %add3A_276 : f32 to vector<256x128xf32>
    %add3A_278 = arith.addf %convert_element_type3A, %add3A_277 : vector<256x128xf32>
    %lt3A_279 = arith.cmpf olt, %slice3A_267, %slice3A_263 : vector<256x128xf32>
    %select_n3A_280 = arith.select %lt3A_279, %slice3A_267, %slice3A_263 : vector<256x128xi1>, vector<256x128xf32>
    %select_n3A_281 = arith.select %lt3A_279, %add3A_270, %add3A_266 : vector<256x128xi1>, vector<256x128xf32>
    %lt3A_282 = arith.cmpf olt, %slice3A_275, %slice3A_271 : vector<256x128xf32>
    %select_n3A_283 = arith.select %lt3A_282, %slice3A_275, %slice3A_271 : vector<256x128xi1>, vector<256x128xf32>
    %select_n3A_284 = arith.select %lt3A_282, %add3A_278, %add3A_274 : vector<256x128xi1>, vector<256x128xf32>
    %lt3A_285 = arith.cmpf olt, %select_n3A_283, %select_n3A_280 : vector<256x128xf32>
    %select_n3A_286 = arith.select %lt3A_285, %select_n3A_283, %select_n3A_280 : vector<256x128xi1>, vector<256x128xf32>
    %select_n3A_287 = arith.select %lt3A_285, %select_n3A_284, %select_n3A_281 : vector<256x128xi1>, vector<256x128xf32>
    %lt3A_288 = arith.cmpf olt, %select_n3A_286, %select_n3A_256 : vector<256x128xf32>
    %select_n3A_289 = arith.select %lt3A_288, %select_n3A_286, %select_n3A_256 : vector<256x128xi1>, vector<256x128xf32>
    %select_n3A_290 = arith.select %lt3A_288, %select_n3A_287, %select_n3A_257 : vector<256x128xi1>, vector<256x128xf32>
    %get3A_291 = arith.constant 0 : index
    %get3A_292 = arith.constant 4608 : index
    %get3A_293 = vector.load %arg2[%get3A_291, %get3A_292] : memref<8x8192xbf16, #tpu.memory_space<vmem>>, vector<8x512xbf16>
    %dot_general3A_294 = arith.constant dense<0.000000e+00> : vector<256x512xf32>
    %dot_general3A_295 = tpu.matmul %get3A_1, %get3A_293, %dot_general3A_294 {dimension_numbers = #tpu.dot_dimension_numbers<[1], [0], [0], [1], [0, 0, 1, 1], [], []>, transpose_lhs_hint = false} : vector<256x8xbf16>, vector<8x512xbf16>, vector<256x512xf32> -> vector<256x512xf32>
    %slice3A_296 = vector.extract_strided_slice %dot_general3A_295 {offsets = [0, 0], sizes = [256, 128], strides = [1, 1]} : vector<256x512xf32> to vector<256x128xf32>
    %add3A_297 = arith.constant 4.608000e+03 : f32
    %add3A_298 = vector.broadcast %add3A_297 : f32 to vector<256x128xf32>
    %add3A_299 = arith.addf %convert_element_type3A, %add3A_298 : vector<256x128xf32>
    %slice3A_300 = vector.extract_strided_slice %dot_general3A_295 {offsets = [0, 128], sizes = [256, 128], strides = [1, 1]} : vector<256x512xf32> to vector<256x128xf32>
    %add3A_301 = arith.constant 4.736000e+03 : f32
    %add3A_302 = vector.broadcast %add3A_301 : f32 to vector<256x128xf32>
    %add3A_303 = arith.addf %convert_element_type3A, %add3A_302 : vector<256x128xf32>
    %slice3A_304 = vector.extract_strided_slice %dot_general3A_295 {offsets = [0, 256], sizes = [256, 128], strides = [1, 1]} : vector<256x512xf32> to vector<256x128xf32>
    %add3A_305 = arith.constant 4.864000e+03 : f32
    %add3A_306 = vector.broadcast %add3A_305 : f32 to vector<256x128xf32>
    %add3A_307 = arith.addf %convert_element_type3A, %add3A_306 : vector<256x128xf32>
    %slice3A_308 = vector.extract_strided_slice %dot_general3A_295 {offsets = [0, 384], sizes = [256, 128], strides = [1, 1]} : vector<256x512xf32> to vector<256x128xf32>
    %add3A_309 = arith.constant 4.992000e+03 : f32
    %add3A_310 = vector.broadcast %add3A_309 : f32 to vector<256x128xf32>
    %add3A_311 = arith.addf %convert_element_type3A, %add3A_310 : vector<256x128xf32>
    %lt3A_312 = arith.cmpf olt, %slice3A_300, %slice3A_296 : vector<256x128xf32>
    %select_n3A_313 = arith.select %lt3A_312, %slice3A_300, %slice3A_296 : vector<256x128xi1>, vector<256x128xf32>
    %select_n3A_314 = arith.select %lt3A_312, %add3A_303, %add3A_299 : vector<256x128xi1>, vector<256x128xf32>
    %lt3A_315 = arith.cmpf olt, %slice3A_308, %slice3A_304 : vector<256x128xf32>
    %select_n3A_316 = arith.select %lt3A_315, %slice3A_308, %slice3A_304 : vector<256x128xi1>, vector<256x128xf32>
    %select_n3A_317 = arith.select %lt3A_315, %add3A_311, %add3A_307 : vector<256x128xi1>, vector<256x128xf32>
    %lt3A_318 = arith.cmpf olt, %select_n3A_316, %select_n3A_313 : vector<256x128xf32>
    %select_n3A_319 = arith.select %lt3A_318, %select_n3A_316, %select_n3A_313 : vector<256x128xi1>, vector<256x128xf32>
    %select_n3A_320 = arith.select %lt3A_318, %select_n3A_317, %select_n3A_314 : vector<256x128xi1>, vector<256x128xf32>
    %lt3A_321 = arith.cmpf olt, %select_n3A_319, %select_n3A_289 : vector<256x128xf32>
    %select_n3A_322 = arith.select %lt3A_321, %select_n3A_319, %select_n3A_289 : vector<256x128xi1>, vector<256x128xf32>
    %select_n3A_323 = arith.select %lt3A_321, %select_n3A_320, %select_n3A_290 : vector<256x128xi1>, vector<256x128xf32>
    %get3A_324 = arith.constant 0 : index
    %get3A_325 = arith.constant 5120 : index
    %get3A_326 = vector.load %arg2[%get3A_324, %get3A_325] : memref<8x8192xbf16, #tpu.memory_space<vmem>>, vector<8x512xbf16>
    %dot_general3A_327 = arith.constant dense<0.000000e+00> : vector<256x512xf32>
    %dot_general3A_328 = tpu.matmul %get3A_1, %get3A_326, %dot_general3A_327 {dimension_numbers = #tpu.dot_dimension_numbers<[1], [0], [0], [1], [0, 0, 1, 1], [], []>, transpose_lhs_hint = false} : vector<256x8xbf16>, vector<8x512xbf16>, vector<256x512xf32> -> vector<256x512xf32>
    %slice3A_329 = vector.extract_strided_slice %dot_general3A_328 {offsets = [0, 0], sizes = [256, 128], strides = [1, 1]} : vector<256x512xf32> to vector<256x128xf32>
    %add3A_330 = arith.constant 5.120000e+03 : f32
    %add3A_331 = vector.broadcast %add3A_330 : f32 to vector<256x128xf32>
    %add3A_332 = arith.addf %convert_element_type3A, %add3A_331 : vector<256x128xf32>
    %slice3A_333 = vector.extract_strided_slice %dot_general3A_328 {offsets = [0, 128], sizes = [256, 128], strides = [1, 1]} : vector<256x512xf32> to vector<256x128xf32>
    %add3A_334 = arith.constant 5.248000e+03 : f32
    %add3A_335 = vector.broadcast %add3A_334 : f32 to vector<256x128xf32>
    %add3A_336 = arith.addf %convert_element_type3A, %add3A_335 : vector<256x128xf32>
    %slice3A_337 = vector.extract_strided_slice %dot_general3A_328 {offsets = [0, 256], sizes = [256, 128], strides = [1, 1]} : vector<256x512xf32> to vector<256x128xf32>
    %add3A_338 = arith.constant 5.376000e+03 : f32
    %add3A_339 = vector.broadcast %add3A_338 : f32 to vector<256x128xf32>
    %add3A_340 = arith.addf %convert_element_type3A, %add3A_339 : vector<256x128xf32>
    %slice3A_341 = vector.extract_strided_slice %dot_general3A_328 {offsets = [0, 384], sizes = [256, 128], strides = [1, 1]} : vector<256x512xf32> to vector<256x128xf32>
    %add3A_342 = arith.constant 5.504000e+03 : f32
    %add3A_343 = vector.broadcast %add3A_342 : f32 to vector<256x128xf32>
    %add3A_344 = arith.addf %convert_element_type3A, %add3A_343 : vector<256x128xf32>
    %lt3A_345 = arith.cmpf olt, %slice3A_333, %slice3A_329 : vector<256x128xf32>
    %select_n3A_346 = arith.select %lt3A_345, %slice3A_333, %slice3A_329 : vector<256x128xi1>, vector<256x128xf32>
    %select_n3A_347 = arith.select %lt3A_345, %add3A_336, %add3A_332 : vector<256x128xi1>, vector<256x128xf32>
    %lt3A_348 = arith.cmpf olt, %slice3A_341, %slice3A_337 : vector<256x128xf32>
    %select_n3A_349 = arith.select %lt3A_348, %slice3A_341, %slice3A_337 : vector<256x128xi1>, vector<256x128xf32>
    %select_n3A_350 = arith.select %lt3A_348, %add3A_344, %add3A_340 : vector<256x128xi1>, vector<256x128xf32>
    %lt3A_351 = arith.cmpf olt, %select_n3A_349, %select_n3A_346 : vector<256x128xf32>
    %select_n3A_352 = arith.select %lt3A_351, %select_n3A_349, %select_n3A_346 : vector<256x128xi1>, vector<256x128xf32>
    %select_n3A_353 = arith.select %lt3A_351, %select_n3A_350, %select_n3A_347 : vector<256x128xi1>, vector<256x128xf32>
    %lt3A_354 = arith.cmpf olt, %select_n3A_352, %select_n3A_322 : vector<256x128xf32>
    %select_n3A_355 = arith.select %lt3A_354, %select_n3A_352, %select_n3A_322 : vector<256x128xi1>, vector<256x128xf32>
    %select_n3A_356 = arith.select %lt3A_354, %select_n3A_353, %select_n3A_323 : vector<256x128xi1>, vector<256x128xf32>
    %get3A_357 = arith.constant 0 : index
    %get3A_358 = arith.constant 5632 : index
    %get3A_359 = vector.load %arg2[%get3A_357, %get3A_358] : memref<8x8192xbf16, #tpu.memory_space<vmem>>, vector<8x512xbf16>
    %dot_general3A_360 = arith.constant dense<0.000000e+00> : vector<256x512xf32>
    %dot_general3A_361 = tpu.matmul %get3A_1, %get3A_359, %dot_general3A_360 {dimension_numbers = #tpu.dot_dimension_numbers<[1], [0], [0], [1], [0, 0, 1, 1], [], []>, transpose_lhs_hint = false} : vector<256x8xbf16>, vector<8x512xbf16>, vector<256x512xf32> -> vector<256x512xf32>
    %slice3A_362 = vector.extract_strided_slice %dot_general3A_361 {offsets = [0, 0], sizes = [256, 128], strides = [1, 1]} : vector<256x512xf32> to vector<256x128xf32>
    %add3A_363 = arith.constant 5.632000e+03 : f32
    %add3A_364 = vector.broadcast %add3A_363 : f32 to vector<256x128xf32>
    %add3A_365 = arith.addf %convert_element_type3A, %add3A_364 : vector<256x128xf32>
    %slice3A_366 = vector.extract_strided_slice %dot_general3A_361 {offsets = [0, 128], sizes = [256, 128], strides = [1, 1]} : vector<256x512xf32> to vector<256x128xf32>
    %add3A_367 = arith.constant 5.760000e+03 : f32
    %add3A_368 = vector.broadcast %add3A_367 : f32 to vector<256x128xf32>
    %add3A_369 = arith.addf %convert_element_type3A, %add3A_368 : vector<256x128xf32>
    %slice3A_370 = vector.extract_strided_slice %dot_general3A_361 {offsets = [0, 256], sizes = [256, 128], strides = [1, 1]} : vector<256x512xf32> to vector<256x128xf32>
    %add3A_371 = arith.constant 5.888000e+03 : f32
    %add3A_372 = vector.broadcast %add3A_371 : f32 to vector<256x128xf32>
    %add3A_373 = arith.addf %convert_element_type3A, %add3A_372 : vector<256x128xf32>
    %slice3A_374 = vector.extract_strided_slice %dot_general3A_361 {offsets = [0, 384], sizes = [256, 128], strides = [1, 1]} : vector<256x512xf32> to vector<256x128xf32>
    %add3A_375 = arith.constant 6.016000e+03 : f32
    %add3A_376 = vector.broadcast %add3A_375 : f32 to vector<256x128xf32>
    %add3A_377 = arith.addf %convert_element_type3A, %add3A_376 : vector<256x128xf32>
    %lt3A_378 = arith.cmpf olt, %slice3A_366, %slice3A_362 : vector<256x128xf32>
    %select_n3A_379 = arith.select %lt3A_378, %slice3A_366, %slice3A_362 : vector<256x128xi1>, vector<256x128xf32>
    %select_n3A_380 = arith.select %lt3A_378, %add3A_369, %add3A_365 : vector<256x128xi1>, vector<256x128xf32>
    %lt3A_381 = arith.cmpf olt, %slice3A_374, %slice3A_370 : vector<256x128xf32>
    %select_n3A_382 = arith.select %lt3A_381, %slice3A_374, %slice3A_370 : vector<256x128xi1>, vector<256x128xf32>
    %select_n3A_383 = arith.select %lt3A_381, %add3A_377, %add3A_373 : vector<256x128xi1>, vector<256x128xf32>
    %lt3A_384 = arith.cmpf olt, %select_n3A_382, %select_n3A_379 : vector<256x128xf32>
    %select_n3A_385 = arith.select %lt3A_384, %select_n3A_382, %select_n3A_379 : vector<256x128xi1>, vector<256x128xf32>
    %select_n3A_386 = arith.select %lt3A_384, %select_n3A_383, %select_n3A_380 : vector<256x128xi1>, vector<256x128xf32>
    %lt3A_387 = arith.cmpf olt, %select_n3A_385, %select_n3A_355 : vector<256x128xf32>
    %select_n3A_388 = arith.select %lt3A_387, %select_n3A_385, %select_n3A_355 : vector<256x128xi1>, vector<256x128xf32>
    %select_n3A_389 = arith.select %lt3A_387, %select_n3A_386, %select_n3A_356 : vector<256x128xi1>, vector<256x128xf32>
    %get3A_390 = arith.constant 0 : index
    %get3A_391 = arith.constant 6144 : index
    %get3A_392 = vector.load %arg2[%get3A_390, %get3A_391] : memref<8x8192xbf16, #tpu.memory_space<vmem>>, vector<8x512xbf16>
    %dot_general3A_393 = arith.constant dense<0.000000e+00> : vector<256x512xf32>
    %dot_general3A_394 = tpu.matmul %get3A_1, %get3A_392, %dot_general3A_393 {dimension_numbers = #tpu.dot_dimension_numbers<[1], [0], [0], [1], [0, 0, 1, 1], [], []>, transpose_lhs_hint = false} : vector<256x8xbf16>, vector<8x512xbf16>, vector<256x512xf32> -> vector<256x512xf32>
    %slice3A_395 = vector.extract_strided_slice %dot_general3A_394 {offsets = [0, 0], sizes = [256, 128], strides = [1, 1]} : vector<256x512xf32> to vector<256x128xf32>
    %add3A_396 = arith.constant 6.144000e+03 : f32
    %add3A_397 = vector.broadcast %add3A_396 : f32 to vector<256x128xf32>
    %add3A_398 = arith.addf %convert_element_type3A, %add3A_397 : vector<256x128xf32>
    %slice3A_399 = vector.extract_strided_slice %dot_general3A_394 {offsets = [0, 128], sizes = [256, 128], strides = [1, 1]} : vector<256x512xf32> to vector<256x128xf32>
    %add3A_400 = arith.constant 6.272000e+03 : f32
    %add3A_401 = vector.broadcast %add3A_400 : f32 to vector<256x128xf32>
    %add3A_402 = arith.addf %convert_element_type3A, %add3A_401 : vector<256x128xf32>
    %slice3A_403 = vector.extract_strided_slice %dot_general3A_394 {offsets = [0, 256], sizes = [256, 128], strides = [1, 1]} : vector<256x512xf32> to vector<256x128xf32>
    %add3A_404 = arith.constant 6.400000e+03 : f32
    %add3A_405 = vector.broadcast %add3A_404 : f32 to vector<256x128xf32>
    %add3A_406 = arith.addf %convert_element_type3A, %add3A_405 : vector<256x128xf32>
    %slice3A_407 = vector.extract_strided_slice %dot_general3A_394 {offsets = [0, 384], sizes = [256, 128], strides = [1, 1]} : vector<256x512xf32> to vector<256x128xf32>
    %add3A_408 = arith.constant 6.528000e+03 : f32
    %add3A_409 = vector.broadcast %add3A_408 : f32 to vector<256x128xf32>
    %add3A_410 = arith.addf %convert_element_type3A, %add3A_409 : vector<256x128xf32>
    %lt3A_411 = arith.cmpf olt, %slice3A_399, %slice3A_395 : vector<256x128xf32>
    %select_n3A_412 = arith.select %lt3A_411, %slice3A_399, %slice3A_395 : vector<256x128xi1>, vector<256x128xf32>
    %select_n3A_413 = arith.select %lt3A_411, %add3A_402, %add3A_398 : vector<256x128xi1>, vector<256x128xf32>
    %lt3A_414 = arith.cmpf olt, %slice3A_407, %slice3A_403 : vector<256x128xf32>
    %select_n3A_415 = arith.select %lt3A_414, %slice3A_407, %slice3A_403 : vector<256x128xi1>, vector<256x128xf32>
    %select_n3A_416 = arith.select %lt3A_414, %add3A_410, %add3A_406 : vector<256x128xi1>, vector<256x128xf32>
    %lt3A_417 = arith.cmpf olt, %select_n3A_415, %select_n3A_412 : vector<256x128xf32>
    %select_n3A_418 = arith.select %lt3A_417, %select_n3A_415, %select_n3A_412 : vector<256x128xi1>, vector<256x128xf32>
    %select_n3A_419 = arith.select %lt3A_417, %select_n3A_416, %select_n3A_413 : vector<256x128xi1>, vector<256x128xf32>
    %lt3A_420 = arith.cmpf olt, %select_n3A_418, %select_n3A_388 : vector<256x128xf32>
    %select_n3A_421 = arith.select %lt3A_420, %select_n3A_418, %select_n3A_388 : vector<256x128xi1>, vector<256x128xf32>
    %select_n3A_422 = arith.select %lt3A_420, %select_n3A_419, %select_n3A_389 : vector<256x128xi1>, vector<256x128xf32>
    %get3A_423 = arith.constant 0 : index
    %get3A_424 = arith.constant 6656 : index
    %get3A_425 = vector.load %arg2[%get3A_423, %get3A_424] : memref<8x8192xbf16, #tpu.memory_space<vmem>>, vector<8x512xbf16>
    %dot_general3A_426 = arith.constant dense<0.000000e+00> : vector<256x512xf32>
    %dot_general3A_427 = tpu.matmul %get3A_1, %get3A_425, %dot_general3A_426 {dimension_numbers = #tpu.dot_dimension_numbers<[1], [0], [0], [1], [0, 0, 1, 1], [], []>, transpose_lhs_hint = false} : vector<256x8xbf16>, vector<8x512xbf16>, vector<256x512xf32> -> vector<256x512xf32>
    %slice3A_428 = vector.extract_strided_slice %dot_general3A_427 {offsets = [0, 0], sizes = [256, 128], strides = [1, 1]} : vector<256x512xf32> to vector<256x128xf32>
    %add3A_429 = arith.constant 6.656000e+03 : f32
    %add3A_430 = vector.broadcast %add3A_429 : f32 to vector<256x128xf32>
    %add3A_431 = arith.addf %convert_element_type3A, %add3A_430 : vector<256x128xf32>
    %slice3A_432 = vector.extract_strided_slice %dot_general3A_427 {offsets = [0, 128], sizes = [256, 128], strides = [1, 1]} : vector<256x512xf32> to vector<256x128xf32>
    %add3A_433 = arith.constant 6.784000e+03 : f32
    %add3A_434 = vector.broadcast %add3A_433 : f32 to vector<256x128xf32>
    %add3A_435 = arith.addf %convert_element_type3A, %add3A_434 : vector<256x128xf32>
    %slice3A_436 = vector.extract_strided_slice %dot_general3A_427 {offsets = [0, 256], sizes = [256, 128], strides = [1, 1]} : vector<256x512xf32> to vector<256x128xf32>
    %add3A_437 = arith.constant 6.912000e+03 : f32
    %add3A_438 = vector.broadcast %add3A_437 : f32 to vector<256x128xf32>
    %add3A_439 = arith.addf %convert_element_type3A, %add3A_438 : vector<256x128xf32>
    %slice3A_440 = vector.extract_strided_slice %dot_general3A_427 {offsets = [0, 384], sizes = [256, 128], strides = [1, 1]} : vector<256x512xf32> to vector<256x128xf32>
    %add3A_441 = arith.constant 7.040000e+03 : f32
    %add3A_442 = vector.broadcast %add3A_441 : f32 to vector<256x128xf32>
    %add3A_443 = arith.addf %convert_element_type3A, %add3A_442 : vector<256x128xf32>
    %lt3A_444 = arith.cmpf olt, %slice3A_432, %slice3A_428 : vector<256x128xf32>
    %select_n3A_445 = arith.select %lt3A_444, %slice3A_432, %slice3A_428 : vector<256x128xi1>, vector<256x128xf32>
    %select_n3A_446 = arith.select %lt3A_444, %add3A_435, %add3A_431 : vector<256x128xi1>, vector<256x128xf32>
    %lt3A_447 = arith.cmpf olt, %slice3A_440, %slice3A_436 : vector<256x128xf32>
    %select_n3A_448 = arith.select %lt3A_447, %slice3A_440, %slice3A_436 : vector<256x128xi1>, vector<256x128xf32>
    %select_n3A_449 = arith.select %lt3A_447, %add3A_443, %add3A_439 : vector<256x128xi1>, vector<256x128xf32>
    %lt3A_450 = arith.cmpf olt, %select_n3A_448, %select_n3A_445 : vector<256x128xf32>
    %select_n3A_451 = arith.select %lt3A_450, %select_n3A_448, %select_n3A_445 : vector<256x128xi1>, vector<256x128xf32>
    %select_n3A_452 = arith.select %lt3A_450, %select_n3A_449, %select_n3A_446 : vector<256x128xi1>, vector<256x128xf32>
    %lt3A_453 = arith.cmpf olt, %select_n3A_451, %select_n3A_421 : vector<256x128xf32>
    %select_n3A_454 = arith.select %lt3A_453, %select_n3A_451, %select_n3A_421 : vector<256x128xi1>, vector<256x128xf32>
    %select_n3A_455 = arith.select %lt3A_453, %select_n3A_452, %select_n3A_422 : vector<256x128xi1>, vector<256x128xf32>
    %get3A_456 = arith.constant 0 : index
    %get3A_457 = arith.constant 7168 : index
    %get3A_458 = vector.load %arg2[%get3A_456, %get3A_457] : memref<8x8192xbf16, #tpu.memory_space<vmem>>, vector<8x512xbf16>
    %dot_general3A_459 = arith.constant dense<0.000000e+00> : vector<256x512xf32>
    %dot_general3A_460 = tpu.matmul %get3A_1, %get3A_458, %dot_general3A_459 {dimension_numbers = #tpu.dot_dimension_numbers<[1], [0], [0], [1], [0, 0, 1, 1], [], []>, transpose_lhs_hint = false} : vector<256x8xbf16>, vector<8x512xbf16>, vector<256x512xf32> -> vector<256x512xf32>
    %slice3A_461 = vector.extract_strided_slice %dot_general3A_460 {offsets = [0, 0], sizes = [256, 128], strides = [1, 1]} : vector<256x512xf32> to vector<256x128xf32>
    %add3A_462 = arith.constant 7.168000e+03 : f32
    %add3A_463 = vector.broadcast %add3A_462 : f32 to vector<256x128xf32>
    %add3A_464 = arith.addf %convert_element_type3A, %add3A_463 : vector<256x128xf32>
    %slice3A_465 = vector.extract_strided_slice %dot_general3A_460 {offsets = [0, 128], sizes = [256, 128], strides = [1, 1]} : vector<256x512xf32> to vector<256x128xf32>
    %add3A_466 = arith.constant 7.296000e+03 : f32
    %add3A_467 = vector.broadcast %add3A_466 : f32 to vector<256x128xf32>
    %add3A_468 = arith.addf %convert_element_type3A, %add3A_467 : vector<256x128xf32>
    %slice3A_469 = vector.extract_strided_slice %dot_general3A_460 {offsets = [0, 256], sizes = [256, 128], strides = [1, 1]} : vector<256x512xf32> to vector<256x128xf32>
    %add3A_470 = arith.constant 7.424000e+03 : f32
    %add3A_471 = vector.broadcast %add3A_470 : f32 to vector<256x128xf32>
    %add3A_472 = arith.addf %convert_element_type3A, %add3A_471 : vector<256x128xf32>
    %slice3A_473 = vector.extract_strided_slice %dot_general3A_460 {offsets = [0, 384], sizes = [256, 128], strides = [1, 1]} : vector<256x512xf32> to vector<256x128xf32>
    %add3A_474 = arith.constant 7.552000e+03 : f32
    %add3A_475 = vector.broadcast %add3A_474 : f32 to vector<256x128xf32>
    %add3A_476 = arith.addf %convert_element_type3A, %add3A_475 : vector<256x128xf32>
    %lt3A_477 = arith.cmpf olt, %slice3A_465, %slice3A_461 : vector<256x128xf32>
    %select_n3A_478 = arith.select %lt3A_477, %slice3A_465, %slice3A_461 : vector<256x128xi1>, vector<256x128xf32>
    %select_n3A_479 = arith.select %lt3A_477, %add3A_468, %add3A_464 : vector<256x128xi1>, vector<256x128xf32>
    %lt3A_480 = arith.cmpf olt, %slice3A_473, %slice3A_469 : vector<256x128xf32>
    %select_n3A_481 = arith.select %lt3A_480, %slice3A_473, %slice3A_469 : vector<256x128xi1>, vector<256x128xf32>
    %select_n3A_482 = arith.select %lt3A_480, %add3A_476, %add3A_472 : vector<256x128xi1>, vector<256x128xf32>
    %lt3A_483 = arith.cmpf olt, %select_n3A_481, %select_n3A_478 : vector<256x128xf32>
    %select_n3A_484 = arith.select %lt3A_483, %select_n3A_481, %select_n3A_478 : vector<256x128xi1>, vector<256x128xf32>
    %select_n3A_485 = arith.select %lt3A_483, %select_n3A_482, %select_n3A_479 : vector<256x128xi1>, vector<256x128xf32>
    %lt3A_486 = arith.cmpf olt, %select_n3A_484, %select_n3A_454 : vector<256x128xf32>
    %select_n3A_487 = arith.select %lt3A_486, %select_n3A_484, %select_n3A_454 : vector<256x128xi1>, vector<256x128xf32>
    %select_n3A_488 = arith.select %lt3A_486, %select_n3A_485, %select_n3A_455 : vector<256x128xi1>, vector<256x128xf32>
    %get3A_489 = arith.constant 0 : index
    %get3A_490 = arith.constant 7680 : index
    %get3A_491 = vector.load %arg2[%get3A_489, %get3A_490] : memref<8x8192xbf16, #tpu.memory_space<vmem>>, vector<8x512xbf16>
    %dot_general3A_492 = arith.constant dense<0.000000e+00> : vector<256x512xf32>
    %dot_general3A_493 = tpu.matmul %get3A_1, %get3A_491, %dot_general3A_492 {dimension_numbers = #tpu.dot_dimension_numbers<[1], [0], [0], [1], [0, 0, 1, 1], [], []>, transpose_lhs_hint = false} : vector<256x8xbf16>, vector<8x512xbf16>, vector<256x512xf32> -> vector<256x512xf32>
    %slice3A_494 = vector.extract_strided_slice %dot_general3A_493 {offsets = [0, 0], sizes = [256, 128], strides = [1, 1]} : vector<256x512xf32> to vector<256x128xf32>
    %add3A_495 = arith.constant 7.680000e+03 : f32
    %add3A_496 = vector.broadcast %add3A_495 : f32 to vector<256x128xf32>
    %add3A_497 = arith.addf %convert_element_type3A, %add3A_496 : vector<256x128xf32>
    %slice3A_498 = vector.extract_strided_slice %dot_general3A_493 {offsets = [0, 128], sizes = [256, 128], strides = [1, 1]} : vector<256x512xf32> to vector<256x128xf32>
    %add3A_499 = arith.constant 7.808000e+03 : f32
    %add3A_500 = vector.broadcast %add3A_499 : f32 to vector<256x128xf32>
    %add3A_501 = arith.addf %convert_element_type3A, %add3A_500 : vector<256x128xf32>
    %slice3A_502 = vector.extract_strided_slice %dot_general3A_493 {offsets = [0, 256], sizes = [256, 128], strides = [1, 1]} : vector<256x512xf32> to vector<256x128xf32>
    %add3A_503 = arith.constant 7.936000e+03 : f32
    %add3A_504 = vector.broadcast %add3A_503 : f32 to vector<256x128xf32>
    %add3A_505 = arith.addf %convert_element_type3A, %add3A_504 : vector<256x128xf32>
    %slice3A_506 = vector.extract_strided_slice %dot_general3A_493 {offsets = [0, 384], sizes = [256, 128], strides = [1, 1]} : vector<256x512xf32> to vector<256x128xf32>
    %add3A_507 = arith.constant 8.064000e+03 : f32
    %add3A_508 = vector.broadcast %add3A_507 : f32 to vector<256x128xf32>
    %add3A_509 = arith.addf %convert_element_type3A, %add3A_508 : vector<256x128xf32>
    %lt3A_510 = arith.cmpf olt, %slice3A_498, %slice3A_494 : vector<256x128xf32>
    %select_n3A_511 = arith.select %lt3A_510, %slice3A_498, %slice3A_494 : vector<256x128xi1>, vector<256x128xf32>
    %select_n3A_512 = arith.select %lt3A_510, %add3A_501, %add3A_497 : vector<256x128xi1>, vector<256x128xf32>
    %lt3A_513 = arith.cmpf olt, %slice3A_506, %slice3A_502 : vector<256x128xf32>
    %select_n3A_514 = arith.select %lt3A_513, %slice3A_506, %slice3A_502 : vector<256x128xi1>, vector<256x128xf32>
    %select_n3A_515 = arith.select %lt3A_513, %add3A_509, %add3A_505 : vector<256x128xi1>, vector<256x128xf32>
    %lt3A_516 = arith.cmpf olt, %select_n3A_514, %select_n3A_511 : vector<256x128xf32>
    %select_n3A_517 = arith.select %lt3A_516, %select_n3A_514, %select_n3A_511 : vector<256x128xi1>, vector<256x128xf32>
    %select_n3A_518 = arith.select %lt3A_516, %select_n3A_515, %select_n3A_512 : vector<256x128xi1>, vector<256x128xf32>
    %lt3A_519 = arith.cmpf olt, %select_n3A_517, %select_n3A_487 : vector<256x128xf32>
    %select_n3A_520 = arith.select %lt3A_519, %select_n3A_517, %select_n3A_487 : vector<256x128xi1>, vector<256x128xf32>
    %select_n3A_521 = arith.select %lt3A_519, %select_n3A_518, %select_n3A_488 : vector<256x128xi1>, vector<256x128xf32>
    %reduce_min3A = arith.constant dense<0x7F800000> : vector<256xf32>
    %reduce_min3A_522 = vector.multi_reduction <minimumf>, %select_n3A_520, %reduce_min3A [1] : vector<256x128xf32> to vector<256xf32>
    %broadcast_in_dim3A = vector.shape_cast %reduce_min3A_522 : vector<256xf32> to vector<256x1xf32>
    %eq3A = vector.broadcast %broadcast_in_dim3A : vector<256x1xf32> to vector<256x128xf32>
    %eq3A_523 = arith.cmpf oeq, %select_n3A_520, %eq3A : vector<256x128xf32>
    %jit3A = arith.constant 0x7F800000 : f32
    %broadcast_in_dim3A_524 = vector.broadcast %jit3A : f32 to vector<256x128xf32>
    %select_n3A_525 = arith.select %eq3A_523, %select_n3A_521, %broadcast_in_dim3A_524 : vector<256x128xi1>, vector<256x128xf32>
    %reduce_min3A_526 = arith.constant dense<0x7F800000> : vector<256xf32>
    %reduce_min3A_527 = vector.multi_reduction <minimumf>, %select_n3A_525, %reduce_min3A_526 [1] : vector<256x128xf32> to vector<256xf32>
    %broadcast_in_dim3A_528 = vector.shape_cast %reduce_min3A_527 : vector<256xf32> to vector<256x1xf32>
    %swap3A = arith.constant 0 : index
    %swap3A_529 = arith.constant 0 : index
    %swap3A_530 = vector.load %arg3[%swap3A, %swap3A_529] : memref<256x1xf32, #tpu.memory_space<vmem>>, vector<256x1xf32>
    tpu.vector_store %arg3[%swap3A, %swap3A_529], %broadcast_in_dim3A_528 {strides = array<i32>} : memref<256x1xf32, #tpu.memory_space<vmem>>, vector<256x1xf32>,
    return
  }
  func.func @transform_0(%arg0: i32) -> (i32, i32) {
    %c0_i32 = arith.constant 0 : i32
    %c0_i32_0 = arith.constant 0 : i32
    return %arg0, %c0_i32 : i32, i32
  }
  func.func @transform_1(%arg0: i32) -> (i32, i32) {
    %c0_i32 = arith.constant 0 : i32
    %c0_i32_0 = arith.constant 0 : i32
    %c0_i32_1 = arith.constant 0 : i32
    return %c0_i32, %c0_i32_0 : i32, i32
  }
  func.func @transform_2(%arg0: i32) -> (i32, i32) {
    %c0_i32 = arith.constant 0 : i32
    %c0_i32_0 = arith.constant 0 : i32
    return %arg0, %c0_i32 : i32, i32
  }
}

</mosaic_0001>

<sc_bundles>
// kernel: gather_offload_async_start
scs
__scs_entry_jumppad:
0x0: {  	(pc) =	sbr.rel $0x88, $3  }
0x1: {  	(tag) =	ssettag $0x0;
	lr =	simm.s32 $0x1  }
0x2: {  	[smem:$0x3F9F] =	sst lr;
	_ =	strace $0xD0000000  }
0x3: {  	_ = 	snop  }
0x4: {  	_ = 	snop  }
0x5: {  	_ = 	snop  }
0x6: {  	_ = 	snop  }
0x7: {  	_ = 	snop  }
__scs_overlays_trampoline_lowered:
0x8: {  	[smem:$0x3FAE] =	sst s0  }
0x9: {  	[smem:$0x3FAF] =	sst s1  }
0xa: {  	[smem:$0x3FB0] =	sst s2  }
0xb: {  	[smem:$0x3FB1] =	sst s3  }
0xc: {  	[smem:$0x3FB2] =	sst s4  }
0xd: {  	[smem:$0x3FB3] =	sst s5  }
0xe: {  	[smem:$0x3FB4] =	sst s6  }
0xf: {  	[smem:$0x3FB5] =	sst s7  }
0x10: {  	[smem:$0x3FB6] =	sst s8  }
0x11: {  	[smem:$0x3FB7] =	sst s9;
	s0 =	simm.s32 @!p0 $0x0  }
0x12: {  	s1 =	sld [smem:$0x3F9D];
	s0 =	simm.s32 @p0 $0x1  }
0x13: {  	[smem:$0x3FB8] =	sst s0;
	s0 =	simm.s32 @!p1 $0x0  }
0x14: {  	s2 =	sld [smem:$0x3F9C];
	s0 =	simm.s32 @p1 $0x1  }
0x15: {  	[smem:$0x3FB9] =	sst s0;
	s0 =	simm.s32 @!p2 $0x0  }
0x16: {  	s3 =	sld [smem:$0x3FDB];
	s0 =	simm.s32 @p2 $0x1  }
0x17: {  	s4 =	simm.s32 $0x1BF5;
	[smem:$0x3FBB] =	sst s0  }
0x18: {  	s0 =	sld [smem:$0x3F9E];
	_ =	swait.ge [sflag:s4], $0x0  }
0x19: {  	s7 =	sld [smem:$0x3F9F]  }
0x1a: {  	s8 =	sadd.s32 $0xFFFFE003, lr  }
0x1b: {  	s9 =	sadd.s32 $0xFFFFFEF7, lr;
	s5 =	simm.s32 $0xFFFFFFFF;
	p2 =	slt.u32 s8, $0xFFFFF086  }
0x1c: {  	p1 =	slt.u32 s9, $0xF7A;
	s5 =	simm.s32 @!p2 $0x0  }
0x1d: {  	s5 =	simm.s32 @p1 $0x1;
	p0 =	seq.s32 s7, s2  }
0x1e: {  	s7 =	smul.u32 @!p0 $0xF7A, s2;
	p2 =	seq.s32 @!p0 s5, $0x0  }
0x1f: {  	s9 =	smul.u32 $0xF7A, s1;
	s8 =	simm.s32 @!p0 $0x1BF5;
	p2 =	por !p2, p0  }
0x20: {  	[sflag:s8] =	ssyncset.s32 @!p0 $0xFFFFF086;
	s6 =	sadd.s32 @!p0 s3, s7;
	s7 =	simm.s32 @!p0 $0x108  }
0x21: {  	s3 =	sadd.s32 s3, s9;
	s6 =	sadd.s32 @!p0 $0x88, s6;
	s7 =	simm.s32 @p2 $0x1082  }
0x22: {  	[simem:s7], [sflag:s8] =	dma.local @!p0 [hbm:s6], $0xF7A  }
0x23: {  	s9 =	sor.u32 $0xD0000000, s2;
	s6 =	simm.s32 $0x108;
	_ =	swait.ge @!p0 [sflag:s8], $0x0  }
0x24: {  	s3 =	sadd.s32 $0x88, s3;
	s6 =	simm.s32 @!p1 $0x1082;
	[sflag:s4] =	ssyncset.s32 $0xFFFFF086  }
0x25: {  	[simem:s6], [sflag:s4] =	dma.local [hbm:s3], $0xF7A  }
0x26: {  	[smem:$0x3F9F] =	sst s1;
	(tag) =	ssettag s2;
	_ =	strace s9  }
0x27: {  	s1 =	sld [smem:$0x3FAF]  }
0x28: {  	s2 =	sld [smem:$0x3FB0]  }
0x29: {  	s4 =	sld [smem:$0x3FB2]  }
0x2a: {  	p0 =	seq.s32 s5, $0x0;
	s5 =	sld [smem:$0x3FB3]  }
0x2b: {  	s6 =	sld [smem:$0x3FB4]  }
0x2c: {  	s7 =	sld [smem:$0x3FB5]  }
0x2d: {  	s3 =	simm.s32 $0x108;
	s8 =	sld [smem:$0x3FB6]  }
0x2e: {  	s3 =	simm.s32 @!p0 $0x1082;
	s9 =	sld [smem:$0x3FB7]  }
0x2f: {  	lr =	sadd.s32 s0, s3;
	s0 =	sld [smem:$0x3FAE]  }
0x30: {  	s3 =	sld [smem:$0x3FB1]  }
0x31: {  	[smem:$0x3FBA] =	sst s10  }
0x32: {  	s10 =	sld [smem:$0x3FB8];
	_ =	sdelay $0x3  }
0x33: {  	p0 =	seq.s32 s10, $0x1;
	s10 =	sld [smem:$0x3FBA];
	_ =	sdelay $0x3  }
0x34: {  	[smem:$0x3FBA] =	sst s10  }
0x35: {  	s10 =	sld [smem:$0x3FB9];
	_ =	sdelay $0x3  }
0x36: {  	p1 =	seq.s32 s10, $0x1;
	s10 =	sld [smem:$0x3FBA];
	_ =	sdelay $0x3  }
0x37: {  	[smem:$0x3FBA] =	sst s10  }
0x38: {  	s10 =	sld [smem:$0x3FBB]  }
0x39: {  	_ = 	snop;
	(pc) =	sbr.ind lr, $3  }
0x3a: {  	_ = 	snop  }
0x3b: {  	_ = 	snop  }
0x3c: {  	p2 =	seq.s32 s10, $0x1;
	s10 =	sld [smem:$0x3FBA]  }
0x3d: {  	_ =	shalt  }
0x3e: {  	_ =	shalt  }
0x3f: {  	_ =	shalt  }
0x40: {  	_ =	shalt  }
0x41: {  	_ =	shalt  }
0x42: {  	_ =	shalt  }
0x43: {  	_ =	shalt  }
0x44: {  	_ =	shalt  }
0x45: {  	_ =	shalt  }
0x46: {  	_ =	shalt  }
0x47: {  	_ =	shalt  }
0x48: {  	_ =	shalt  }
0x49: {  	_ =	shalt  }
0x4a: {  	_ =	shalt  }
0x4b: {  	_ =	shalt  }
0x4c: {  	_ =	shalt  }
0x4d: {  	_ =	shalt  }
0x4e: {  	_ =	shalt  }
0x4f: {  	_ =	shalt  }
0x50: {  	_ =	shalt  }
0x51: {  	_ =	shalt  }
0x52: {  	_ =	shalt  }
0x53: {  	_ =	shalt  }
0x54: {  	_ =	shalt  }
0x55: {  	_ =	shalt  }
0x56: {  	_ =	shalt  }
0x57: {  	_ =	shalt  }
0x58: {  	_ =	shalt  }
0x59: {  	_ =	shalt  }
0x5a: {  	_ =	shalt  }
0x5b: {  	_ =	shalt  }
0x5c: {  	_ =	shalt  }
0x5d: {  	_ =	shalt  }
0x5e: {  	_ =	shalt  }
0x5f: {  	_ =	shalt  }
0x60: {  	_ =	shalt  }
0x61: {  	_ =	shalt  }
0x62: {  	_ =	shalt  }
0x63: {  	_ =	shalt  }
0x64: {  	_ =	shalt  }
0x65: {  	_ =	shalt  }
0x66: {  	_ =	shalt  }
0x67: {  	_ =	shalt  }
0x68: {  	_ =	shalt  }
0x69: {  	_ =	shalt  }
0x6a: {  	_ =	shalt  }
0x6b: {  	_ =	shalt  }
0x6c: {  	_ =	shalt  }
0x6d: {  	_ =	shalt  }
0x6e: {  	_ =	shalt  }
0x6f: {  	_ =	shalt  }
0x70: {  	_ =	shalt  }
0x71: {  	_ =	shalt  }
0x72: {  	_ =	shalt  }
0x73: {  	_ =	shalt  }
0x74: {  	_ =	shalt  }
0x75: {  	_ =	shalt  }
0x76: {  	_ =	shalt  }
0x77: {  	_ =	shalt  }
0x78: {  	_ =	shalt  }
0x79: {  	_ =	shalt  }
0x7a: {  	_ =	shalt  }
0x7b: {  	_ =	shalt  }
0x7c: {  	_ =	shalt  }
0x7d: {  	_ =	shalt  }
0x7e: {  	_ =	shalt  }
0x7f: {  	_ =	shalt  }
0x80: {  	_ =	shalt  }
0x81: {  	_ =	shalt  }
0x82: {  	_ =	shalt  }
0x83: {  	_ =	shalt  }
0x84: {  	_ =	shalt  }
0x85: {  	_ =	shalt  }
0x86: {  	_ =	shalt  }
0x87: {  	_ =	shalt  }
.Lfunc_end0:
.L_simem_size_0:
called_computation_lowered:
.L_overlay_start_0:
0x88: {  	s2 =	sld [smem:$0x3FD9]  }
0x89: {  	s3 =	sld [smem:$0x3FFE];
	_ =	sdelay $0x1  }
0x8a: {  	s1 =	srdreg.scid  }
0x8b: {  	s0 =	sand.u32 $0x1, s1  }
0x8c: {  	s16 =	sshll.u32 s0, $0xA;
	s2 =	sadd.s32 s3, s2  }
0x8d: {  	s2 =	sadd.s32 s2, s16  }
0x8e: {  	[smem:$0x3FC6] =	sst s2  }
0x8f: {  	_ = 	snop  }
0x90: {  	(tm) =	ssettm $0x1  }
0x91: {  	s17 =	sld [smem:$0x3FFB];
	_ =	sdelay $0x3  }
0x92: {  	_ =	strace s17  }
0x93: {  	s2 =	sld [smem:$0x3FFC];
	_ =	sdelay $0x3  }
0x94: {  	_ =	strace s2  }
0x95: {  	s2 =	sld [smem:$0x3FFD];
	_ =	sdelay $0x3  }
0x96: {  	_ =	strace s2  }
0x97: {  	_ =	strace $0x8FFFFFFF  }
0x98: {  	s18 =	sld [smem:$0x3FDB];
	_ =	sdelay $0x1  }
0x99: {  	s19 =	simm.s32 $_scs_section_size  }
0x9a: {  	s4 =	simm.s32 $_size__tile_overlayer_lowered;
	s5 =	simm.s32 $_tile_overlayer_lowered  }
0x9b: {  	s22 =	simm.s32 $0x1BFF;
	s21 =	sshll.u32 s5, $0x1;
	s2 =	sadd.s32 s19, s18  }
0x9c: {  	s6 =	simm.s32 $0x0;
	s20 =	sshll.u32 s4, $0x1;
	s4 =	sadd.s32 s21, s2  }
0x9d: {  	[timem:s6], [sflag:s22] =	dma.local [hbm:s4], s20  }
0x9e: {  	_ =	swait.ge [sflag:s22], s20  }
0x9f: {  	s3 =	ssub.s32 $0x0, s20;
	[sflag:s22] =	ssyncset.done $0x0  }
0xa0: {  	[sflag:s22] =	ssyncadd.s32 s3;
	_ =	sdelay $0x1  }
0xa1: {  	s23 =	simm.s32 $0x1B8B  }
0xa2: {  	_ =	swait.ge [sflag:s23], $0x1  }
0xa3: {  	[sflag:s23] =	ssyncset.done $0x0  }
0xa4: {  	s25 =	simm.s32 $0x1B8E;
	s24 =	sld [smem:$0x3FFE];
	[sflag:s23] =	ssyncadd.s32 $0xFFFFFFFF  }
0xa5: {  	s26 =	simm.s32 $execute0_lowered;
	[smem:$0x3FD2] =	sst s25  }
0xa6: {  	s4 =	sshll.u32 s26, $0x1;
	_ =	strace $0x80000046;
	[dreg:$0x1] =	wrdreg $0xFFFFFFFF  }
0xa7: {  	s28 =	simm.s32 $_size_execute0_lowered;
	s2 =	sadd.s32 s2, s4;
	[dreg:$0x0] =	wrdreg $0x0  }
0xa8: {  	s4 =	sshll.u32 s28, $0x1;
	[dreg:$0x2] =	wrdreg s2  }
0xa9: {  	[dreg:$0x3] =	wrdreg s4  }
0xaa: {  	[dreg:$0x4] =	wrdreg $0xC0  }
0xab: {  	_ =	task [dreg:s6], $0x5FFFF  }
0xac: {  	[dreg:$0x1] =	wrdreg $0xFFFFFFFF  }
0xad: {  	[dreg:$0x0] =	wrdreg $0x60  }
0xae: {  	[dreg:$0x2] =	wrdreg s24  }
0xaf: {  	[dreg:$0x3] =	wrdreg $0x9  }
0xb0: {  	_ =	task.clear_ibuf [dreg:s6], $0x4FFFF;
	_ =	strace $0x90000046  }
0xb1: {  	s29 =	simm.s32 $0x9;
	_ =	strace $0x80000048  }
0xb2: {  	_ =	swait.ge [sflag:s29], $0x1  }
0xb3: {  	[sflag:s29] =	ssyncadd.s32 $0xFFFFFFFF  }
0xb4: {  	_ =	strace $0x90000048  }
0xb5: {  	_ =	sfence  }
0xb6: {  	s30 =	sld [smem:$0x0];
	_ =	sdelay $0x2  }
0xb7: {  	s31 =	sshll.u32 s1, $0xD;
	s1 =	sshrl.u32 s1, $0x2  }
0xb8: {  	s3 =	sand.u32 $0x4000, s31;
	s1 =	sadd.s32 s1, s30  }
0xb9: {  	s0 =	sor.u32 s3, s0;
	s1 =	sshll.u32 s1, $0x11  }
0xba: {  	s0 =	sor.u32 s1, s0  }
0xbb: {  	s0 =	sadd.s32 $0x8F2B, s0  }
0xbc: {  	[sflag:s0] =	ssyncadd.remote.s32 $0x1  }
0xbd: {  	_ =	sfence.sel $0xFFFF  }
0xbe: {  	[dreg:$0x0] =	wrdreg $0xFFFFFFFF;
	(pc) =	sbr.abs _section_cstart, $3  }
0xbf: {  	[dreg:$0x1] =	wrdreg $0xFFFFFFFF  }
0xc0: {  	_ =	task.clear_ibuf [dreg:s6], $0x2FFFF;
	_ =	strace $0x9FFFFFFF  }
0xc1: {  	(tm) =	ssettm $0x7FFFFFFF  }
tec
execute0_lowered:
.L_overlay_start_1:
0x0: {  	(tag) =	ssettag $0x1  }
0x1: {  	s7 =	rddreg [dreg:$0x0]  }
0x2: {  	s0 =	rddreg [dreg:$0x1];
	_ =	strace $0x80000047  }
0x3: {  	s1 =	srdreg.scid;
	s4 =	simm.s32 $0x1;
	s9 =	simm.s32 $0x3  }
0x4: {  	s12 =	simm.s32 $0x0;
	s10 =	simm.s32 $0x0;
	s5 =	sshll.u32 s1, $0x4  }
.Ltmp0:
0x5: {  	s1 =	stileid.u32;
	s5 =	sand.u32 $0x10, s5;
	(pc) =	sbr.rel .LBB2_1-.Ltmp0, $4  }
0x6: {  	s2 =	sadd.s32 $0x200, s7;
	s3 =	sadd.s32 $0x20200, s7;
	s6 =	sor.u32 s1, s5  }
0x7: {  	[sflag:s4] =	ssyncpa.u1 $0x0;
	s5 =	simm.s32 $0x2;
	s6 =	sshll.u32 s6, $0x8  }
0x8: {  	s7 =	sadd.s32 $0x20600, s7;
	[sflag:s5] =	ssyncpa.u1 $0x0;
	s8 =	sadd.s32 $0x100, s6  }
0x9: {  	vm0 =	vmmov $0xff;
	vm1 =	vcmask $0x3F20;
	[sflag:s9] =	ssyncpa.u1 $0x0;
	s9 =	simm.s32 $0x100;
	s11 =	smov.u32 s6  }
.LBB2_9:
0xa: {  	p0 =	seq.s32 s10, $0x2  }
.Ltmp1:
0xb: {  	_ = 	snop;
	(pc) =	sbr.rel @p0 .LBB2_11-.Ltmp1, $1  }
0xc: {  	_ =	sdelay $0x3  }
.LBB2_10:
0xd: {  	s12 =	sadd.s32 $0x100, s11  }
0xe: {  	s13 =	smov.u32 s6;
	p0 =	slt.s32 s12, s8  }
0xf: {  	s13 =	smov.u32 @p0 s12  }
0x10: {  	s10 =	sadd.s32 $0x1, s10;
	s12 =	smov.u32 s11;
	s11 =	smov.u32 s13  }
.LBB2_1:
0x11: {  	p0 =	sne.s32 s10, $0x0  }
.Ltmp2:
0x12: {  	_ = 	snop;
	(pc) =	sbr.rel @!p0 .LBB2_2-.Ltmp2, $1  }
0x13: {  	_ =	sdelay $0x3  }
0x14: {  	s13 =	sand.u32 $0x1, s10  }
0x15: {  	p0 =	seq.s32 s13, $0x0  }
.Ltmp3:
0x16: {  	_ = 	snop;
	(pc) =	sbr.rel @p0 .LBB2_9-.Ltmp3, $1  }
0x17: {  	_ =	sdelay $0x3  }
0x18: {  	_ =	swait.ge [sflag:s5], $0x100  }
0x19: {  	[sflag:s5] =	ssyncset.done $0x0  }
0x1a: {  	s13 =	simm.s32 $0x0;
	[sflag:s5] =	ssyncadd.s32 $0xFFFFFF00  }
0x1b: {  	v0 =	vld.msk [tilespmem:s13+$0x100 ss:$0x1], $0xffff;
	_ =	sdelay $0x4  }
0x1c: {  	vm2 =	vgt.s32 v0, $0x0  }
0x1d: {  	v0 =	vnsel vm2, $0x0, v0  }
0x1e: {  	v0 =	vmin.u32 v0, $0x1FFF  }
0x1f: {  	v0 =	vshll.u32 v0, $0x4;
	_ =	sdelay $0x3  }
0x20: {  	s13 =	simm.s32 $0x8200  }
0x21: {  	[tilespmem:s13], [sflag:$0x1] =	stream.indirect_vreg.gather [hbm:s2], $0x80, v0, vm0, $0x38;
	[tilespmem:$0x10200] =	vst v63  }
0x22: {  	s14 =	simm.s32 $0x8600;
	s31 =	simm.s32 $0x10  }
0x23: {  	[tilespmem:s14], [sflag:$0x1] =	stream.indirect_vreg.gather [hbm:s2], $0x80, v0, vm1, $0x38;
	[tilespmem:$0x10200] =	vst v63  }
0x24: {  	s14 =	simm.s32 $0x80;
	v0 =	vld.msk [tilespmem:s31+$0x100 ss:$0x1], $0xffff  }
.LBB2_5:
0x25: {  	p0 =	sne.s32 s14, $0x3C0;
	_ =	sdelay $0x4  }
0x26: {  	vm2 =	vgt.s32 v0, $0x0  }
0x27: {  	v0 =	vnsel vm2, $0x0, v0  }
0x28: {  	v0 =	vmin.u32 v0, $0x1FFF  }
0x29: {  	v0 =	vshll.u32 v0, $0x4;
	_ =	sdelay $0x3  }
.Ltmp4:
0x2a: {  	s13 =	sadd.s32 $0x800, s13;
	(pc) =	sbr.rel @p0 .LBB2_5-.Ltmp4, $4  }
0x2b: {  	[tilespmem:s13], [sflag:$0x1] =	stream.indirect_vreg.gather [hbm:s2], $0x80, v0, vm0, $0x38;
	[tilespmem:$0x10200] =	vst v63  }
0x2c: {  	s15 =	sshra.s32 s14, $0x2;
	s16 =	sadd.s32 $0x400, s13  }
0x2d: {  	[tilespmem:s16], [sflag:$0x1] =	stream.indirect_vreg.gather [hbm:s2], $0x80, v0, vm1, $0x38;
	[tilespmem:$0x10200] =	vst v63  }
0x2e: {  	s14 =	sadd.s32 $0x40, s14;
	v0 =	vld.msk [tilespmem:s15+$0x100 ss:$0x1], $0xffff  }
0x2f: {  	_ =	sdelay $0x3  }
0x30: {  	vm2 =	vgt.s32 v0, $0x0  }
0x31: {  	v0 =	vnsel vm2, $0x0, v0  }
0x32: {  	v0 =	vmin.u32 v0, $0x1FFF  }
0x33: {  	v0 =	vshll.u32 v0, $0x4;
	_ =	sdelay $0x3  }
0x34: {  	s13 =	sadd.s32 $0x800, s13  }
0x35: {  	[tilespmem:s13], [sflag:$0x1] =	stream.indirect_vreg.gather [hbm:s2], $0x80, v0, vm0, $0x38;
	[tilespmem:$0x10200] =	vst v63  }
0x36: {  	s13 =	sadd.s32 $0x400, s13  }
0x37: {  	[tilespmem:s13], [sflag:$0x1] =	stream.indirect_vreg.gather [hbm:s2], $0x80, v0, vm1, $0x38;
	[tilespmem:$0x10200] =	vst v63  }
0x38: {  	s12 =	sshll.u32 s12, $0x4;
	s14 =	simm.s32 $0x80;
	_ =	swait.ge [sflag:s4], $0x8000  }
0x39: {  	s15 =	simm.s32 $0x8600;
	s12 =	sadd.s32 s12, s7;
	[sflag:s4] =	ssyncset.done $0x0  }
0x3a: {  	s16 =	sadd.s32 $0x0, s12;
	s13 =	simm.s32 $0x8200;
	[sflag:s4] =	ssyncadd.s32 $0xFFFF8000  }
.LBB2_7:
0x3b: {  	[hbm:s16] =	stream.linear.scatter [tilespmem:s13], [sflag:$0x3], $0x400, $0x38;
	[tilespmem:$0x10200] =	vst v63  }
0x3c: {  	s16 =	smov.u32 s14;
	s13 =	smov.u32 s15;
	p0 =	sne.s32 s14, $0xF80  }
.Ltmp5:
0x3d: {  	s14 =	sadd.s32 $0x80, s14;
	(pc) =	sbr.rel @p0 .LBB2_7-.Ltmp5, $2  }
0x3e: {  	_ =	sdelay $0x2  }
0x3f: {  	s15 =	sadd.s32 $0x400, s15;
	s16 =	sadd.s32 s16, s12  }
.Ltmp6:
0x40: {  	(pc) =	sbr.rel .LBB2_9-.Ltmp6, $2  }
0x41: {  	_ =	sdelay $0x2  }
0x42: {  	[hbm:s16] =	stream.linear.scatter [tilespmem:s13], [sflag:$0x3], $0x400, $0x38;
	[tilespmem:$0x10200] =	vst v63  }
.LBB2_2:
.Ltmp7:
0x43: {  	(pc) =	sbr.rel .LBB2_10-.Ltmp7, $4  }
0x44: {  	_ = 	snop  }
0x45: {  	s12 =	sshrl.u32 s11, $0x3  }
0x46: {  	s13 =	sand.u32 $0x7, s11;
	s12 =	sadd.s32 s3, s12  }
0x47: {  	[tilespmem:s9], [sflag:$0x2] =	stream.linear.gather [hbm4b:s12+s13], $0x100, $0x38;
	[tilespmem:$0x10200] =	vst v63  }
.LBB2_11:
0x48: {  	s2 =	simm.s32 $0x3  }
0x49: {  	_ =	swait.ge [sflag:s2], $0x8000  }
0x4a: {  	[sflag:s2] =	ssyncset.done $0x0  }
0x4b: {  	[sflag:s2] =	ssyncadd.s32 $0xFFFF8000  }
0x4c: {  	_ =	sfence.sel $0x180000  }
0x4d: {  	s3 =	simm.s32 $0x2;
	[bflag:$0x0] =	sbarrier.arrive $0xFFFF  }
0x4e: {  	[sflag:s3] =	ssyncpa.u1 $0x1  }
0x4f: {  	s31 =	simm.s32 $0x1;
	[sflag:s2] =	ssyncpa.u1 $0x1  }
0x50: {  	[sflag:s31] =	ssyncpa.u1 $0x1  }
0x51: {  	p0 =	sne.s32 s1, $0x0;
	_ =	strace $0x90000047  }
0x52: {  	s0 =	sadd.s32 @!p0 $0x100000, s0;
	[bflag:$0x2] =	sbarrier.arrive $0xFFFF  }
0x53: {  	[sflag:s0] =	ssyncadd.tile.s32 @!p0 $0x1;
	_ =	shalt  }
.Lfunc_end2:
_tile_overlayer_lowered:
.L_overlay_start_2:
0x54: {  	(tag) =	ssettag $0x2  }
0x55: {  	s0 =	rddreg [dreg:$0x0];
	s2 =	stileid.u32  }
0x56: {  	s1 =	rddreg [dreg:$0x1];
	p0 =	sne.s32 s2, $0x0  }
0x57: {  	s3 =	rddreg [dreg:$0x2];
	[bflag:$0x3] =	sbarrier.arrive $0xFFFF;
	s2 =	simm.s32 @!p0 $0x1C01  }
0x58: {  	[timem:s3], [sflag:s2] =	dma.local @!p0 [hbm:s0], s1  }
0x59: {  	s0 =	simm.s32 @!p0 $0x1  }
0x5a: {  	_ =	swait.ge @!p0 [sflag:s0], s1  }
0x5b: {  	s1 =	ssub.s32 @!p0 $0x0, s1;
	[sflag:s0] =	ssyncset.done @!p0 $0x0  }
0x5c: {  	[sflag:s0] =	ssyncadd.s32 @!p0 s1  }
0x5d: {  	[bflag:$0x3] =	sbarrier.arrive $0xFFFF  }
0x5e: {  	_ =	shalt  }

</sc_bundles>
